<compile_context>
chip_gen: v7x
topology: tpu7x:2x2x1
jax: 0.10.2.dev20260603
libtpu: 0.0.44.dev20260713+nightly
codegen_flags: <defaults>
</compile_context>

<pallas_src>
import functools

import jax
import jax.numpy as jnp
from jax import lax
from jax.experimental import pallas as pl
from jax.experimental.pallas import tpu as pltpu
from jax.experimental.pallas import tpu_sc as plsc

B = 16384
E = 128
NC = 2
NS = 16
NW = NC * NS
BPW = B // NW
CHUNK = 128
NCH = BPW // CHUNK
NJOB = 2 * NCH
NBUF = 7


def _sc_gather(idx, user_table, item_table):
    mesh = plsc.VectorSubcoreMesh(core_axis_name="c", subcore_axis_name="s")

    @functools.partial(
        pl.kernel,
        mesh=mesh,
        compiler_params=pltpu.CompilerParams(use_tc_tiling_on_sc=True),
        out_type=jax.ShapeDtypeStruct((2 * B, E), jnp.float32),
        scratch_types=[
            pltpu.VMEM((BPW,), jnp.int32),
            pltpu.VMEM((BPW,), jnp.int32),
            pltpu.VMEM((NBUF, CHUNK, E), jnp.float32),
        ] + [pltpu.SemaphoreType.DMA] * (2 * NBUF + 2),
    )
    def gather_kernel(idx_hbm, utab_hbm, itab_hbm, out_hbm,
                      uidx_v, iidx_v, rows_v, *sems):
        gsem = sems[:NBUF]
        ssem = sems[NBUF:2 * NBUF]
        isem = sems[2 * NBUF:]
        wid = lax.axis_index("s") * NC + lax.axis_index("c")
        base = wid * BPW
        cu = pltpu.async_copy(idx_hbm.at[pl.ds(base, BPW)], uidx_v, isem[0])
        ci = pltpu.async_copy(idx_hbm.at[pl.ds(B + base, BPW)], iidx_v, isem[1])
        cu.wait()
        ci.wait()

        def fire(j, b):
            if j < NCH:
                return pltpu.async_copy(
                    utab_hbm.at[uidx_v.at[pl.ds(j * CHUNK, CHUNK)]],
                    rows_v.at[b], gsem[b])
            return pltpu.async_copy(
                itab_hbm.at[iidx_v.at[pl.ds((j - NCH) * CHUNK, CHUNK)]],
                rows_v.at[b], gsem[b])

        gh = [None] * NBUF
        for j in range(min(NBUF, NJOB)):
            gh[j] = fire(j, j)

        store_h = [None] * NBUF
        for j in range(NJOB):
            b = j % NBUF
            gh[b].wait()
            off = (0 if j < NCH else B) + base + (j % NCH) * CHUNK
            store_h[b] = pltpu.async_copy(
                rows_v.at[b], out_hbm.at[pl.ds(off, CHUNK)], ssem[b])
            nj = j + NBUF
            if nj < NJOB:
                store_h[b].wait()
                store_h[b] = None
                gh[b] = fire(nj, b)
        for b in range(NBUF):
            if store_h[b] is not None:
                store_h[b].wait()

    return gather_kernel(idx, user_table, item_table)


BLK = 8192


def _tc_mlp(ui, W1, b1, W2, b2):
    def mlp_kernel(u_ref, i_ref, w1_ref, b1_ref, w2_ref, b2_ref, y_ref):
        uu = u_ref[...]
        ii = i_ref[...]
        ee = uu * ii
        dn = (((0,), (1,)), ((), ()))
        h = (
            lax.dot_general(w1_ref[0:E, :], ee, dn,
                            preferred_element_type=jnp.float32)
            + lax.dot_general(w1_ref[E:2 * E, :], uu, dn,
                              preferred_element_type=jnp.float32)
            + lax.dot_general(w1_ref[2 * E:3 * E, :], ii, dn,
                              preferred_element_type=jnp.float32)
            + b1_ref[...].reshape(8, 1)
        )
        h = jnp.maximum(h, 0.0)
        y = (jnp.sum(h * w2_ref[...], axis=0, keepdims=True)
             + b2_ref[...].reshape(1, 1))
        y_ref[...] = jax.nn.sigmoid(y)

    return pl.pallas_call(
        mlp_kernel,
        grid=(B // BLK,),
        in_specs=[
            pl.BlockSpec((BLK, E), lambda b: (b, 0)),
            pl.BlockSpec((BLK, E), lambda b: (b + B // BLK, 0)),
            pl.BlockSpec((3 * E, 8), lambda b: (0, 0)),
            pl.BlockSpec((8,), lambda b: (0,)),
            pl.BlockSpec((8, 1), lambda b: (0, 0)),
            pl.BlockSpec((1,), lambda b: (0,)),
        ],
        out_specs=pl.BlockSpec((1, BLK), lambda b: (0, b)),
        out_shape=jax.ShapeDtypeStruct((1, B), jnp.float32),
    )(ui, ui, W1, b1, W2, b2)


def kernel(group_inputs, user_inputs, item_inputs, user_table, item_table,
           W1, b1, W2, b2):
    del group_inputs
    idx = jnp.concatenate([user_inputs.astype(jnp.int32),
                           item_inputs.astype(jnp.int32)])
    ui = _sc_gather(idx, user_table, item_table)
    return _tc_mlp(ui, W1, b1, W2, b2).reshape(B, 1)

# --- scband reference (transcript-rebuilt; emitter-appended) ---
"""Pipeline reference for scband-agree-12773232738622 (READ-ONLY COPY).

The authoritative reference and input builder live on the scoring server;
editing this copy changes nothing except your own understanding.
"""

import jax, jax.numpy as jnp
import numpy as np

B = 16384
E = 128
NU = 100000
NI = 100000

def setup_inputs(seed: int = 0) -> dict:
    key = jax.random.key(seed)
    ks = jax.random.split(key, 8)
    return {
        "group_inputs": jax.random.randint(ks[0], (B,), 0, 1000),
        "user_inputs": jax.random.randint(ks[1], (B,), 0, NU),
        "item_inputs": jax.random.randint(ks[2], (B,), 0, NI),
        "user_table": jax.random.normal(ks[3], (NU, E), dtype=jnp.float32) * 0.05,
        "item_table": jax.random.normal(ks[4], (NI, E), dtype=jnp.float32) * 0.05,
        "W1": jax.random.normal(ks[5], (3 * E, 8), dtype=jnp.float32) * 0.05,
        "b1": jnp.zeros((8,), dtype=jnp.float32),
        "W2": jax.random.normal(ks[6], (8, 1), dtype=jnp.float32) * 0.05,
        "b2": jnp.zeros((1,), dtype=jnp.float32),
    }

def reference(group_inputs, user_inputs, item_inputs, user_table, item_table, W1, b1, W2, b2):
    # usr_forward path of AGREE: group_inputs is present but user_inputs is not None,
    # so the torch module dispatches to usr_forward (group_inputs unused).
    user_embeds = jnp.take(user_table, user_inputs, axis=0)
    item_embeds = jnp.take(item_table, item_inputs, axis=0)
    element_embeds = user_embeds * item_embeds
    new_embeds = jnp.concatenate([element_embeds, user_embeds, item_embeds], axis=1)
    h = jax.nn.relu(new_embeds @ W1 + b1)  # PredictLayer linear1 + ReLU (dropout=0)
    y = jax.nn.sigmoid(h @ W2 + b2)        # PredictLayer linear2 + sigmoid
    return y

if __name__ == "__main__":
    import jax
    _d = setup_inputs()
    print(jax.jit(kernel)(*tuple(_d.values())))

</pallas_src>

<mosaic_0001>
#map = affine_map<(d0, d1) -> (0)>
#map1 = affine_map<(d0, d1) -> (0, 0)>
module attributes {stable_mosaic.version = 14 : i64} {
  func.func @gather_kernel(%arg0: i32, %arg1: i32, %arg2: memref<32768xi32, #tpu.memory_space<hbm>>, %arg3: memref<100000x128xf32, #tpu.memory_space<hbm>>, %arg4: memref<100000x128xf32, #tpu.memory_space<hbm>>, %arg5: memref<32768x128xf32, #tpu.memory_space<hbm>>, %arg6: memref<512xi32, #tpu.memory_space<vmem>>, %arg7: memref<512xi32, #tpu.memory_space<vmem>>, %arg8: memref<7x128x128xf32, #tpu.memory_space<vmem>>, %arg9: memref<!tpu.dma_semaphore, #tpu.memory_space<semaphore_mem>>, %arg10: memref<!tpu.dma_semaphore, #tpu.memory_space<semaphore_mem>>, %arg11: memref<!tpu.dma_semaphore, #tpu.memory_space<semaphore_mem>>, %arg12: memref<!tpu.dma_semaphore, #tpu.memory_space<semaphore_mem>>, %arg13: memref<!tpu.dma_semaphore, #tpu.memory_space<semaphore_mem>>, %arg14: memref<!tpu.dma_semaphore, #tpu.memory_space<semaphore_mem>>, %arg15: memref<!tpu.dma_semaphore, #tpu.memory_space<semaphore_mem>>, %arg16: memref<!tpu.dma_semaphore, #tpu.memory_space<semaphore_mem>>, %arg17: memref<!tpu.dma_semaphore, #tpu.memory_space<semaphore_mem>>, %arg18: memref<!tpu.dma_semaphore, #tpu.memory_space<semaphore_mem>>, %arg19: memref<!tpu.dma_semaphore, #tpu.memory_space<semaphore_mem>>, %arg20: memref<!tpu.dma_semaphore, #tpu.memory_space<semaphore_mem>>, %arg21: memref<!tpu.dma_semaphore, #tpu.memory_space<semaphore_mem>>, %arg22: memref<!tpu.dma_semaphore, #tpu.memory_space<semaphore_mem>>, %arg23: memref<!tpu.dma_semaphore, #tpu.memory_space<semaphore_mem>>, %arg24: memref<!tpu.dma_semaphore, #tpu.memory_space<semaphore_mem>>) attributes {dimension_semantics = [#tpu.dimension_semantics<core_parallel>, #tpu.dimension_semantics<subcore_parallel>], iteration_bounds = array<i64: 2, 16>, scalar_prefetch = 0 : i64, scratch_operands = 19 : i64, tpu.core_type = #tpu.core_type<sc_vector_subcore>, window_params = [{transform_indices = #map}, {transform_indices = #map1}, {transform_indices = #map1}, {transform_indices = #map1}]} {
    %mul3A = arith.constant 2 : i32
    %mul3A_0 = arith.muli %arg1, %mul3A : i32
    %add3A = arith.addi %mul3A_0, %arg0 : i32
    %mul3A_1 = arith.constant 512 : i32
    %mul3A_2 = arith.muli %add3A, %mul3A_1 : i32
    %dma_start3A = tpu.memref_slice %arg2[%mul3A_2] : memref<32768xi32, #tpu.memory_space<hbm>> -> memref<512xi32, #tpu.memory_space<hbm>>
    %dma_start3A_3 = tpu.memref_slice %arg2[%mul3A_2] : memref<32768xi32, #tpu.memory_space<hbm>> -> memref<512xi32, #tpu.memory_space<hbm>>
    tpu.enqueue_dma source(%dma_start3A_3 : memref<512xi32, #tpu.memory_space<hbm>>) target(%arg6 : memref<512xi32, #tpu.memory_space<vmem>>) target_semaphore(%arg23 : memref<!tpu.dma_semaphore, #tpu.memory_space<semaphore_mem>>)
    %add3A_4 = arith.constant 16384 : i32
    %add3A_5 = arith.addi %add3A_4, %mul3A_2 : i32
    %dma_start3A_6 = tpu.memref_slice %arg2[%add3A_5] : memref<32768xi32, #tpu.memory_space<hbm>> -> memref<512xi32, #tpu.memory_space<hbm>>
    %dma_start3A_7 = tpu.memref_slice %arg2[%add3A_5] : memref<32768xi32, #tpu.memory_space<hbm>> -> memref<512xi32, #tpu.memory_space<hbm>>
    tpu.enqueue_dma source(%dma_start3A_7 : memref<512xi32, #tpu.memory_space<hbm>>) target(%arg7 : memref<512xi32, #tpu.memory_space<vmem>>) target_semaphore(%arg24 : memref<!tpu.dma_semaphore, #tpu.memory_space<semaphore_mem>>)
    %dma_wait3A = tpu.memref_slice %arg2[%mul3A_2] : memref<32768xi32, #tpu.memory_space<hbm>> -> memref<512xi32, #tpu.memory_space<hbm>>
    %dma_wait3A_8 = tpu.memref_slice %arg2[%mul3A_2] : memref<32768xi32, #tpu.memory_space<hbm>> -> memref<512xi32, #tpu.memory_space<hbm>>
    tpu.wait_dma2 semaphore(%arg23 : memref<!tpu.dma_semaphore, #tpu.memory_space<semaphore_mem>>) src(%dma_wait3A_8 : memref<512xi32, #tpu.memory_space<hbm>>) dst(%arg6 : memref<512xi32, #tpu.memory_space<vmem>>)
    %dma_wait3A_9 = tpu.memref_slice %arg2[%add3A_5] : memref<32768xi32, #tpu.memory_space<hbm>> -> memref<512xi32, #tpu.memory_space<hbm>>
    %dma_wait3A_10 = tpu.memref_slice %arg2[%add3A_5] : memref<32768xi32, #tpu.memory_space<hbm>> -> memref<512xi32, #tpu.memory_space<hbm>>
    tpu.wait_dma2 semaphore(%arg24 : memref<!tpu.dma_semaphore, #tpu.memory_space<semaphore_mem>>) src(%dma_wait3A_10 : memref<512xi32, #tpu.memory_space<hbm>>) dst(%arg7 : memref<512xi32, #tpu.memory_space<vmem>>)
    %dma_start3A_11 = arith.constant 0 : i32
    %dma_start3A_12 = arith.constant 0 : i32
    %dma_start3A_13 = arith.constant 0 : i32
    %dma_start3A_14 = tpu.memref_slice %arg8[%dma_start3A_11, %dma_start3A_12, %dma_start3A_13] : memref<7x128x128xf32, #tpu.memory_space<vmem>> -> memref<1x128x128xf32, #tpu.memory_space<vmem>>
    %dma_start3A_15 = tpu.memref_squeeze %dma_start3A_14 : memref<1x128x128xf32, #tpu.memory_space<vmem>> -> memref<128x128xf32, #tpu.memory_space<vmem>>
    %dma_start3A_16 = arith.constant 0 : i32
    %dma_start3A_17 = tpu.memref_slice %arg6[%dma_start3A_16] : memref<512xi32, #tpu.memory_space<vmem>> -> memref<128xi32, #tpu.memory_space<vmem>>
    %dma_start3A_18 = arith.constant 0 : i32
    %dma_start3A_19 = arith.constant 0 : i32
    %dma_start3A_20 = tpu.memref_slice %arg3[%dma_start3A_18, %dma_start3A_19] : memref<100000x128xf32, #tpu.memory_space<hbm>> -> memref<100000x128xf32, #tpu.memory_space<hbm>>
    tpu.enqueue_indirect_dma source(%dma_start3A_20 : memref<100000x128xf32, #tpu.memory_space<hbm>>) target(%dma_start3A_15 : memref<128x128xf32, #tpu.memory_space<vmem>>) offsets(%dma_start3A_17 : memref<128xi32, #tpu.memory_space<vmem>>) semaphore(%arg9 : memref<!tpu.dma_semaphore, #tpu.memory_space<semaphore_mem>>)
    %dma_start3A_21 = arith.constant 1 : i32
    %dma_start3A_22 = arith.constant 0 : i32
    %dma_start3A_23 = arith.constant 0 : i32
    %dma_start3A_24 = tpu.memref_slice %arg8[%dma_start3A_21, %dma_start3A_22, %dma_start3A_23] : memref<7x128x128xf32, #tpu.memory_space<vmem>> -> memref<1x128x128xf32, #tpu.memory_space<vmem>>
    %dma_start3A_25 = tpu.memref_squeeze %dma_start3A_24 : memref<1x128x128xf32, #tpu.memory_space<vmem>> -> memref<128x128xf32, #tpu.memory_space<vmem>>
    %dma_start3A_26 = arith.constant 128 : i32
    %dma_start3A_27 = tpu.memref_slice %arg6[%dma_start3A_26] : memref<512xi32, #tpu.memory_space<vmem>> -> memref<128xi32, #tpu.memory_space<vmem>>
    %dma_start3A_28 = arith.constant 0 : i32
    %dma_start3A_29 = arith.constant 0 : i32
    %dma_start3A_30 = tpu.memref_slice %arg3[%dma_start3A_28, %dma_start3A_29] : memref<100000x128xf32, #tpu.memory_space<hbm>> -> memref<100000x128xf32, #tpu.memory_space<hbm>>
    tpu.enqueue_indirect_dma source(%dma_start3A_30 : memref<100000x128xf32, #tpu.memory_space<hbm>>) target(%dma_start3A_25 : memref<128x128xf32, #tpu.memory_space<vmem>>) offsets(%dma_start3A_27 : memref<128xi32, #tpu.memory_space<vmem>>) semaphore(%arg10 : memref<!tpu.dma_semaphore, #tpu.memory_space<semaphore_mem>>)
    %dma_start3A_31 = arith.constant 2 : i32
    %dma_start3A_32 = arith.constant 0 : i32
    %dma_start3A_33 = arith.constant 0 : i32
    %dma_start3A_34 = tpu.memref_slice %arg8[%dma_start3A_31, %dma_start3A_32, %dma_start3A_33] : memref<7x128x128xf32, #tpu.memory_space<vmem>> -> memref<1x128x128xf32, #tpu.memory_space<vmem>>
    %dma_start3A_35 = tpu.memref_squeeze %dma_start3A_34 : memref<1x128x128xf32, #tpu.memory_space<vmem>> -> memref<128x128xf32, #tpu.memory_space<vmem>>
    %dma_start3A_36 = arith.constant 256 : i32
    %dma_start3A_37 = tpu.memref_slice %arg6[%dma_start3A_36] : memref<512xi32, #tpu.memory_space<vmem>> -> memref<128xi32, #tpu.memory_space<vmem>>
    %dma_start3A_38 = arith.constant 0 : i32
    %dma_start3A_39 = arith.constant 0 : i32
    %dma_start3A_40 = tpu.memref_slice %arg3[%dma_start3A_38, %dma_start3A_39] : memref<100000x128xf32, #tpu.memory_space<hbm>> -> memref<100000x128xf32, #tpu.memory_space<hbm>>
    tpu.enqueue_indirect_dma source(%dma_start3A_40 : memref<100000x128xf32, #tpu.memory_space<hbm>>) target(%dma_start3A_35 : memref<128x128xf32, #tpu.memory_space<vmem>>) offsets(%dma_start3A_37 : memref<128xi32, #tpu.memory_space<vmem>>) semaphore(%arg11 : memref<!tpu.dma_semaphore, #tpu.memory_space<semaphore_mem>>)
    %dma_start3A_41 = arith.constant 3 : i32
    %dma_start3A_42 = arith.constant 0 : i32
    %dma_start3A_43 = arith.constant 0 : i32
    %dma_start3A_44 = tpu.memref_slice %arg8[%dma_start3A_41, %dma_start3A_42, %dma_start3A_43] : memref<7x128x128xf32, #tpu.memory_space<vmem>> -> memref<1x128x128xf32, #tpu.memory_space<vmem>>
    %dma_start3A_45 = tpu.memref_squeeze %dma_start3A_44 : memref<1x128x128xf32, #tpu.memory_space<vmem>> -> memref<128x128xf32, #tpu.memory_space<vmem>>
    %dma_start3A_46 = arith.constant 384 : i32
    %dma_start3A_47 = tpu.memref_slice %arg6[%dma_start3A_46] : memref<512xi32, #tpu.memory_space<vmem>> -> memref<128xi32, #tpu.memory_space<vmem>>
    %dma_start3A_48 = arith.constant 0 : i32
    %dma_start3A_49 = arith.constant 0 : i32
    %dma_start3A_50 = tpu.memref_slice %arg3[%dma_start3A_48, %dma_start3A_49] : memref<100000x128xf32, #tpu.memory_space<hbm>> -> memref<100000x128xf32, #tpu.memory_space<hbm>>
    tpu.enqueue_indirect_dma source(%dma_start3A_50 : memref<100000x128xf32, #tpu.memory_space<hbm>>) target(%dma_start3A_45 : memref<128x128xf32, #tpu.memory_space<vmem>>) offsets(%dma_start3A_47 : memref<128xi32, #tpu.memory_space<vmem>>) semaphore(%arg12 : memref<!tpu.dma_semaphore, #tpu.memory_space<semaphore_mem>>)
    %dma_start3A_51 = arith.constant 4 : i32
    %dma_start3A_52 = arith.constant 0 : i32
    %dma_start3A_53 = arith.constant 0 : i32
    %dma_start3A_54 = tpu.memref_slice %arg8[%dma_start3A_51, %dma_start3A_52, %dma_start3A_53] : memref<7x128x128xf32, #tpu.memory_space<vmem>> -> memref<1x128x128xf32, #tpu.memory_space<vmem>>
    %dma_start3A_55 = tpu.memref_squeeze %dma_start3A_54 : memref<1x128x128xf32, #tpu.memory_space<vmem>> -> memref<128x128xf32, #tpu.memory_space<vmem>>
    %dma_start3A_56 = arith.constant 0 : i32
    %dma_start3A_57 = tpu.memref_slice %arg7[%dma_start3A_56] : memref<512xi32, #tpu.memory_space<vmem>> -> memref<128xi32, #tpu.memory_space<vmem>>
    %dma_start3A_58 = arith.constant 0 : i32
    %dma_start3A_59 = arith.constant 0 : i32
    %dma_start3A_60 = tpu.memref_slice %arg4[%dma_start3A_58, %dma_start3A_59] : memref<100000x128xf32, #tpu.memory_space<hbm>> -> memref<100000x128xf32, #tpu.memory_space<hbm>>
    tpu.enqueue_indirect_dma source(%dma_start3A_60 : memref<100000x128xf32, #tpu.memory_space<hbm>>) target(%dma_start3A_55 : memref<128x128xf32, #tpu.memory_space<vmem>>) offsets(%dma_start3A_57 : memref<128xi32, #tpu.memory_space<vmem>>) semaphore(%arg13 : memref<!tpu.dma_semaphore, #tpu.memory_space<semaphore_mem>>)
    %dma_start3A_61 = arith.constant 5 : i32
    %dma_start3A_62 = arith.constant 0 : i32
    %dma_start3A_63 = arith.constant 0 : i32
    %dma_start3A_64 = tpu.memref_slice %arg8[%dma_start3A_61, %dma_start3A_62, %dma_start3A_63] : memref<7x128x128xf32, #tpu.memory_space<vmem>> -> memref<1x128x128xf32, #tpu.memory_space<vmem>>
    %dma_start3A_65 = tpu.memref_squeeze %dma_start3A_64 : memref<1x128x128xf32, #tpu.memory_space<vmem>> -> memref<128x128xf32, #tpu.memory_space<vmem>>
    %dma_start3A_66 = arith.constant 128 : i32
    %dma_start3A_67 = tpu.memref_slice %arg7[%dma_start3A_66] : memref<512xi32, #tpu.memory_space<vmem>> -> memref<128xi32, #tpu.memory_space<vmem>>
    %dma_start3A_68 = arith.constant 0 : i32
    %dma_start3A_69 = arith.constant 0 : i32
    %dma_start3A_70 = tpu.memref_slice %arg4[%dma_start3A_68, %dma_start3A_69] : memref<100000x128xf32, #tpu.memory_space<hbm>> -> memref<100000x128xf32, #tpu.memory_space<hbm>>
    tpu.enqueue_indirect_dma source(%dma_start3A_70 : memref<100000x128xf32, #tpu.memory_space<hbm>>) target(%dma_start3A_65 : memref<128x128xf32, #tpu.memory_space<vmem>>) offsets(%dma_start3A_67 : memref<128xi32, #tpu.memory_space<vmem>>) semaphore(%arg14 : memref<!tpu.dma_semaphore, #tpu.memory_space<semaphore_mem>>)
    %dma_start3A_71 = arith.constant 6 : i32
    %dma_start3A_72 = arith.constant 0 : i32
    %dma_start3A_73 = arith.constant 0 : i32
    %dma_start3A_74 = tpu.memref_slice %arg8[%dma_start3A_71, %dma_start3A_72, %dma_start3A_73] : memref<7x128x128xf32, #tpu.memory_space<vmem>> -> memref<1x128x128xf32, #tpu.memory_space<vmem>>
    %dma_start3A_75 = tpu.memref_squeeze %dma_start3A_74 : memref<1x128x128xf32, #tpu.memory_space<vmem>> -> memref<128x128xf32, #tpu.memory_space<vmem>>
    %dma_start3A_76 = arith.constant 256 : i32
    %dma_start3A_77 = tpu.memref_slice %arg7[%dma_start3A_76] : memref<512xi32, #tpu.memory_space<vmem>> -> memref<128xi32, #tpu.memory_space<vmem>>
    %dma_start3A_78 = arith.constant 0 : i32
    %dma_start3A_79 = arith.constant 0 : i32
    %dma_start3A_80 = tpu.memref_slice %arg4[%dma_start3A_78, %dma_start3A_79] : memref<100000x128xf32, #tpu.memory_space<hbm>> -> memref<100000x128xf32, #tpu.memory_space<hbm>>
    tpu.enqueue_indirect_dma source(%dma_start3A_80 : memref<100000x128xf32, #tpu.memory_space<hbm>>) target(%dma_start3A_75 : memref<128x128xf32, #tpu.memory_space<vmem>>) offsets(%dma_start3A_77 : memref<128xi32, #tpu.memory_space<vmem>>) semaphore(%arg15 : memref<!tpu.dma_semaphore, #tpu.memory_space<semaphore_mem>>)
    %dma_wait3A_81 = arith.constant 0 : i32
    %dma_wait3A_82 = arith.constant 0 : i32
    %dma_wait3A_83 = arith.constant 0 : i32
    %dma_wait3A_84 = tpu.memref_slice %arg8[%dma_wait3A_81, %dma_wait3A_82, %dma_wait3A_83] : memref<7x128x128xf32, #tpu.memory_space<vmem>> -> memref<1x128x128xf32, #tpu.memory_space<vmem>>
    %dma_wait3A_85 = tpu.memref_squeeze %dma_wait3A_84 : memref<1x128x128xf32, #tpu.memory_space<vmem>> -> memref<128x128xf32, #tpu.memory_space<vmem>>
    %dma_wait3A_86 = arith.constant 0 : i32
    %dma_wait3A_87 = tpu.memref_slice %arg6[%dma_wait3A_86] : memref<512xi32, #tpu.memory_space<vmem>> -> memref<128xi32, #tpu.memory_space<vmem>>
    %dma_wait3A_88 = arith.constant 0 : i32
    %dma_wait3A_89 = arith.constant 0 : i32
    %dma_wait3A_90 = tpu.memref_slice %arg3[%dma_wait3A_88, %dma_wait3A_89] : memref<100000x128xf32, #tpu.memory_space<hbm>> -> memref<100000x128xf32, #tpu.memory_space<hbm>>
    tpu.wait_indirect_dma semaphore(%arg9 : memref<!tpu.dma_semaphore, #tpu.memory_space<semaphore_mem>>) src(%dma_wait3A_90 : memref<100000x128xf32, #tpu.memory_space<hbm>>) dst(%dma_wait3A_85 : memref<128x128xf32, #tpu.memory_space<vmem>>)
    %add3A_91 = arith.constant 0 : i32
    %add3A_92 = arith.addi %add3A_91, %mul3A_2 : i32
    %add3A_93 = arith.constant 0 : i32
    %add3A_94 = arith.addi %add3A_92, %add3A_93 : i32
    %dma_start3A_95 = arith.constant 0 : i32
    %dma_start3A_96 = arith.constant 0 : i32
    %dma_start3A_97 = arith.constant 0 : i32
    %dma_start3A_98 = tpu.memref_slice %arg8[%dma_start3A_95, %dma_start3A_96, %dma_start3A_97] : memref<7x128x128xf32, #tpu.memory_space<vmem>> -> memref<1x128x128xf32, #tpu.memory_space<vmem>>
    %dma_start3A_99 = tpu.memref_squeeze %dma_start3A_98 : memref<1x128x128xf32, #tpu.memory_space<vmem>> -> memref<128x128xf32, #tpu.memory_space<vmem>>
    %dma_start3A_100 = arith.constant 0 : i32
    %dma_start3A_101 = tpu.memref_slice %arg5[%add3A_94, %dma_start3A_100] : memref<32768x128xf32, #tpu.memory_space<hbm>> -> memref<128x128xf32, #tpu.memory_space<hbm>>
    %dma_start3A_102 = arith.constant 0 : i32
    %dma_start3A_103 = tpu.memref_slice %arg5[%add3A_94, %dma_start3A_102] : memref<32768x128xf32, #tpu.memory_space<hbm>> -> memref<128x128xf32, #tpu.memory_space<hbm>>
    %dma_start3A_104 = arith.constant 0 : i32
    %dma_start3A_105 = arith.constant 0 : i32
    %dma_start3A_106 = tpu.memref_slice %arg8[%dma_start3A_95, %dma_start3A_104, %dma_start3A_105] : memref<7x128x128xf32, #tpu.memory_space<vmem>> -> memref<1x128x128xf32, #tpu.memory_space<vmem>>
    %dma_start3A_107 = tpu.memref_squeeze %dma_start3A_106 : memref<1x128x128xf32, #tpu.memory_space<vmem>> -> memref<128x128xf32, #tpu.memory_space<vmem>>
    tpu.enqueue_dma source(%dma_start3A_107 : memref<128x128xf32, #tpu.memory_space<vmem>>) target(%dma_start3A_103 : memref<128x128xf32, #tpu.memory_space<hbm>>) target_semaphore(%arg16 : memref<!tpu.dma_semaphore, #tpu.memory_space<semaphore_mem>>)
    %dma_wait3A_108 = arith.constant 0 : i32
    %dma_wait3A_109 = arith.constant 0 : i32
    %dma_wait3A_110 = arith.constant 0 : i32
    %dma_wait3A_111 = tpu.memref_slice %arg8[%dma_wait3A_108, %dma_wait3A_109, %dma_wait3A_110] : memref<7x128x128xf32, #tpu.memory_space<vmem>> -> memref<1x128x128xf32, #tpu.memory_space<vmem>>
    %dma_wait3A_112 = tpu.memref_squeeze %dma_wait3A_111 : memref<1x128x128xf32, #tpu.memory_space<vmem>> -> memref<128x128xf32, #tpu.memory_space<vmem>>
    %dma_wait3A_113 = arith.constant 0 : i32
    %dma_wait3A_114 = tpu.memref_slice %arg5[%add3A_94, %dma_wait3A_113] : memref<32768x128xf32, #tpu.memory_space<hbm>> -> memref<128x128xf32, #tpu.memory_space<hbm>>
    %dma_wait3A_115 = arith.constant 0 : i32
    %dma_wait3A_116 = tpu.memref_slice %arg5[%add3A_94, %dma_wait3A_115] : memref<32768x128xf32, #tpu.memory_space<hbm>> -> memref<128x128xf32, #tpu.memory_space<hbm>>
    %dma_wait3A_117 = arith.constant 0 : i32
    %dma_wait3A_118 = arith.constant 0 : i32
    %dma_wait3A_119 = tpu.memref_slice %arg8[%dma_wait3A_108, %dma_wait3A_117, %dma_wait3A_118] : memref<7x128x128xf32, #tpu.memory_space<vmem>> -> memref<1x128x128xf32, #tpu.memory_space<vmem>>
    %dma_wait3A_120 = tpu.memref_squeeze %dma_wait3A_119 : memref<1x128x128xf32, #tpu.memory_space<vmem>> -> memref<128x128xf32, #tpu.memory_space<vmem>>
    tpu.wait_dma2 semaphore(%arg16 : memref<!tpu.dma_semaphore, #tpu.memory_space<semaphore_mem>>) src(%dma_wait3A_120 : memref<128x128xf32, #tpu.memory_space<vmem>>) dst(%dma_wait3A_116 : memref<128x128xf32, #tpu.memory_space<hbm>>)
    %dma_start3A_121 = arith.constant 0 : i32
    %dma_start3A_122 = arith.constant 0 : i32
    %dma_start3A_123 = arith.constant 0 : i32
    %dma_start3A_124 = tpu.memref_slice %arg8[%dma_start3A_121, %dma_start3A_122, %dma_start3A_123] : memref<7x128x128xf32, #tpu.memory_space<vmem>> -> memref<1x128x128xf32, #tpu.memory_space<vmem>>
    %dma_start3A_125 = tpu.memref_squeeze %dma_start3A_124 : memref<1x128x128xf32, #tpu.memory_space<vmem>> -> memref<128x128xf32, #tpu.memory_space<vmem>>
    %dma_start3A_126 = arith.constant 384 : i32
    %dma_start3A_127 = tpu.memref_slice %arg7[%dma_start3A_126] : memref<512xi32, #tpu.memory_space<vmem>> -> memref<128xi32, #tpu.memory_space<vmem>>
    %dma_start3A_128 = arith.constant 0 : i32
    %dma_start3A_129 = arith.constant 0 : i32
    %dma_start3A_130 = tpu.memref_slice %arg4[%dma_start3A_128, %dma_start3A_129] : memref<100000x128xf32, #tpu.memory_space<hbm>> -> memref<100000x128xf32, #tpu.memory_space<hbm>>
    tpu.enqueue_indirect_dma source(%dma_start3A_130 : memref<100000x128xf32, #tpu.memory_space<hbm>>) target(%dma_start3A_125 : memref<128x128xf32, #tpu.memory_space<vmem>>) offsets(%dma_start3A_127 : memref<128xi32, #tpu.memory_space<vmem>>) semaphore(%arg9 : memref<!tpu.dma_semaphore, #tpu.memory_space<semaphore_mem>>)
    %dma_wait3A_131 = arith.constant 1 : i32
    %dma_wait3A_132 = arith.constant 0 : i32
    %dma_wait3A_133 = arith.constant 0 : i32
    %dma_wait3A_134 = tpu.memref_slice %arg8[%dma_wait3A_131, %dma_wait3A_132, %dma_wait3A_133] : memref<7x128x128xf32, #tpu.memory_space<vmem>> -> memref<1x128x128xf32, #tpu.memory_space<vmem>>
    %dma_wait3A_135 = tpu.memref_squeeze %dma_wait3A_134 : memref<1x128x128xf32, #tpu.memory_space<vmem>> -> memref<128x128xf32, #tpu.memory_space<vmem>>
    %dma_wait3A_136 = arith.constant 128 : i32
    %dma_wait3A_137 = tpu.memref_slice %arg6[%dma_wait3A_136] : memref<512xi32, #tpu.memory_space<vmem>> -> memref<128xi32, #tpu.memory_space<vmem>>
    %dma_wait3A_138 = arith.constant 0 : i32
    %dma_wait3A_139 = arith.constant 0 : i32
    %dma_wait3A_140 = tpu.memref_slice %arg3[%dma_wait3A_138, %dma_wait3A_139] : memref<100000x128xf32, #tpu.memory_space<hbm>> -> memref<100000x128xf32, #tpu.memory_space<hbm>>
    tpu.wait_indirect_dma semaphore(%arg10 : memref<!tpu.dma_semaphore, #tpu.memory_space<semaphore_mem>>) src(%dma_wait3A_140 : memref<100000x128xf32, #tpu.memory_space<hbm>>) dst(%dma_wait3A_135 : memref<128x128xf32, #tpu.memory_space<vmem>>)
    %add3A_141 = arith.constant 0 : i32
    %add3A_142 = arith.addi %add3A_141, %mul3A_2 : i32
    %add3A_143 = arith.constant 128 : i32
    %add3A_144 = arith.addi %add3A_142, %add3A_143 : i32
    %dma_start3A_145 = arith.constant 1 : i32
    %dma_start3A_146 = arith.constant 0 : i32
    %dma_start3A_147 = arith.constant 0 : i32
    %dma_start3A_148 = tpu.memref_slice %arg8[%dma_start3A_145, %dma_start3A_146, %dma_start3A_147] : memref<7x128x128xf32, #tpu.memory_space<vmem>> -> memref<1x128x128xf32, #tpu.memory_space<vmem>>
    %dma_start3A_149 = tpu.memref_squeeze %dma_start3A_148 : memref<1x128x128xf32, #tpu.memory_space<vmem>> -> memref<128x128xf32, #tpu.memory_space<vmem>>
    %dma_start3A_150 = arith.constant 0 : i32
    %dma_start3A_151 = tpu.memref_slice %arg5[%add3A_144, %dma_start3A_150] : memref<32768x128xf32, #tpu.memory_space<hbm>> -> memref<128x128xf32, #tpu.memory_space<hbm>>
    %dma_start3A_152 = arith.constant 0 : i32
    %dma_start3A_153 = tpu.memref_slice %arg5[%add3A_144, %dma_start3A_152] : memref<32768x128xf32, #tpu.memory_space<hbm>> -> memref<128x128xf32, #tpu.memory_space<hbm>>
    %dma_start3A_154 = arith.constant 0 : i32
    %dma_start3A_155 = arith.constant 0 : i32
    %dma_start3A_156 = tpu.memref_slice %arg8[%dma_start3A_145, %dma_start3A_154, %dma_start3A_155] : memref<7x128x128xf32, #tpu.memory_space<vmem>> -> memref<1x128x128xf32, #tpu.memory_space<vmem>>
    %dma_start3A_157 = tpu.memref_squeeze %dma_start3A_156 : memref<1x128x128xf32, #tpu.memory_space<vmem>> -> memref<128x128xf32, #tpu.memory_space<vmem>>
    tpu.enqueue_dma source(%dma_start3A_157 : memref<128x128xf32, #tpu.memory_space<vmem>>) target(%dma_start3A_153 : memref<128x128xf32, #tpu.memory_space<hbm>>) target_semaphore(%arg17 : memref<!tpu.dma_semaphore, #tpu.memory_space<semaphore_mem>>)
    %dma_wait3A_158 = arith.constant 2 : i32
    %dma_wait3A_159 = arith.constant 0 : i32
    %dma_wait3A_160 = arith.constant 0 : i32
    %dma_wait3A_161 = tpu.memref_slice %arg8[%dma_wait3A_158, %dma_wait3A_159, %dma_wait3A_160] : memref<7x128x128xf32, #tpu.memory_space<vmem>> -> memref<1x128x128xf32, #tpu.memory_space<vmem>>
    %dma_wait3A_162 = tpu.memref_squeeze %dma_wait3A_161 : memref<1x128x128xf32, #tpu.memory_space<vmem>> -> memref<128x128xf32, #tpu.memory_space<vmem>>
    %dma_wait3A_163 = arith.constant 256 : i32
    %dma_wait3A_164 = tpu.memref_slice %arg6[%dma_wait3A_163] : memref<512xi32, #tpu.memory_space<vmem>> -> memref<128xi32, #tpu.memory_space<vmem>>
    %dma_wait3A_165 = arith.constant 0 : i32
    %dma_wait3A_166 = arith.constant 0 : i32
    %dma_wait3A_167 = tpu.memref_slice %arg3[%dma_wait3A_165, %dma_wait3A_166] : memref<100000x128xf32, #tpu.memory_space<hbm>> -> memref<100000x128xf32, #tpu.memory_space<hbm>>
    tpu.wait_indirect_dma semaphore(%arg11 : memref<!tpu.dma_semaphore, #tpu.memory_space<semaphore_mem>>) src(%dma_wait3A_167 : memref<100000x128xf32, #tpu.memory_space<hbm>>) dst(%dma_wait3A_162 : memref<128x128xf32, #tpu.memory_space<vmem>>)
    %add3A_168 = arith.constant 0 : i32
    %add3A_169 = arith.addi %add3A_168, %mul3A_2 : i32
    %add3A_170 = arith.constant 256 : i32
    %add3A_171 = arith.addi %add3A_169, %add3A_170 : i32
    %dma_start3A_172 = arith.constant 2 : i32
    %dma_start3A_173 = arith.constant 0 : i32
    %dma_start3A_174 = arith.constant 0 : i32
    %dma_start3A_175 = tpu.memref_slice %arg8[%dma_start3A_172, %dma_start3A_173, %dma_start3A_174] : memref<7x128x128xf32, #tpu.memory_space<vmem>> -> memref<1x128x128xf32, #tpu.memory_space<vmem>>
    %dma_start3A_176 = tpu.memref_squeeze %dma_start3A_175 : memref<1x128x128xf32, #tpu.memory_space<vmem>> -> memref<128x128xf32, #tpu.memory_space<vmem>>
    %dma_start3A_177 = arith.constant 0 : i32
    %dma_start3A_178 = tpu.memref_slice %arg5[%add3A_171, %dma_start3A_177] : memref<32768x128xf32, #tpu.memory_space<hbm>> -> memref<128x128xf32, #tpu.memory_space<hbm>>
    %dma_start3A_179 = arith.constant 0 : i32
    %dma_start3A_180 = tpu.memref_slice %arg5[%add3A_171, %dma_start3A_179] : memref<32768x128xf32, #tpu.memory_space<hbm>> -> memref<128x128xf32, #tpu.memory_space<hbm>>
    %dma_start3A_181 = arith.constant 0 : i32
    %dma_start3A_182 = arith.constant 0 : i32
    %dma_start3A_183 = tpu.memref_slice %arg8[%dma_start3A_172, %dma_start3A_181, %dma_start3A_182] : memref<7x128x128xf32, #tpu.memory_space<vmem>> -> memref<1x128x128xf32, #tpu.memory_space<vmem>>
    %dma_start3A_184 = tpu.memref_squeeze %dma_start3A_183 : memref<1x128x128xf32, #tpu.memory_space<vmem>> -> memref<128x128xf32, #tpu.memory_space<vmem>>
    tpu.enqueue_dma source(%dma_start3A_184 : memref<128x128xf32, #tpu.memory_space<vmem>>) target(%dma_start3A_180 : memref<128x128xf32, #tpu.memory_space<hbm>>) target_semaphore(%arg18 : memref<!tpu.dma_semaphore, #tpu.memory_space<semaphore_mem>>)
    %dma_wait3A_185 = arith.constant 3 : i32
    %dma_wait3A_186 = arith.constant 0 : i32
    %dma_wait3A_187 = arith.constant 0 : i32
    %dma_wait3A_188 = tpu.memref_slice %arg8[%dma_wait3A_185, %dma_wait3A_186, %dma_wait3A_187] : memref<7x128x128xf32, #tpu.memory_space<vmem>> -> memref<1x128x128xf32, #tpu.memory_space<vmem>>
    %dma_wait3A_189 = tpu.memref_squeeze %dma_wait3A_188 : memref<1x128x128xf32, #tpu.memory_space<vmem>> -> memref<128x128xf32, #tpu.memory_space<vmem>>
    %dma_wait3A_190 = arith.constant 384 : i32
    %dma_wait3A_191 = tpu.memref_slice %arg6[%dma_wait3A_190] : memref<512xi32, #tpu.memory_space<vmem>> -> memref<128xi32, #tpu.memory_space<vmem>>
    %dma_wait3A_192 = arith.constant 0 : i32
    %dma_wait3A_193 = arith.constant 0 : i32
    %dma_wait3A_194 = tpu.memref_slice %arg3[%dma_wait3A_192, %dma_wait3A_193] : memref<100000x128xf32, #tpu.memory_space<hbm>> -> memref<100000x128xf32, #tpu.memory_space<hbm>>
    tpu.wait_indirect_dma semaphore(%arg12 : memref<!tpu.dma_semaphore, #tpu.memory_space<semaphore_mem>>) src(%dma_wait3A_194 : memref<100000x128xf32, #tpu.memory_space<hbm>>) dst(%dma_wait3A_189 : memref<128x128xf32, #tpu.memory_space<vmem>>)
    %add3A_195 = arith.constant 0 : i32
    %add3A_196 = arith.addi %add3A_195, %mul3A_2 : i32
    %add3A_197 = arith.constant 384 : i32
    %add3A_198 = arith.addi %add3A_196, %add3A_197 : i32
    %dma_start3A_199 = arith.constant 3 : i32
    %dma_start3A_200 = arith.constant 0 : i32
    %dma_start3A_201 = arith.constant 0 : i32
    %dma_start3A_202 = tpu.memref_slice %arg8[%dma_start3A_199, %dma_start3A_200, %dma_start3A_201] : memref<7x128x128xf32, #tpu.memory_space<vmem>> -> memref<1x128x128xf32, #tpu.memory_space<vmem>>
    %dma_start3A_203 = tpu.memref_squeeze %dma_start3A_202 : memref<1x128x128xf32, #tpu.memory_space<vmem>> -> memref<128x128xf32, #tpu.memory_space<vmem>>
    %dma_start3A_204 = arith.constant 0 : i32
    %dma_start3A_205 = tpu.memref_slice %arg5[%add3A_198, %dma_start3A_204] : memref<32768x128xf32, #tpu.memory_space<hbm>> -> memref<128x128xf32, #tpu.memory_space<hbm>>
    %dma_start3A_206 = arith.constant 0 : i32
    %dma_start3A_207 = tpu.memref_slice %arg5[%add3A_198, %dma_start3A_206] : memref<32768x128xf32, #tpu.memory_space<hbm>> -> memref<128x128xf32, #tpu.memory_space<hbm>>
    %dma_start3A_208 = arith.constant 0 : i32
    %dma_start3A_209 = arith.constant 0 : i32
    %dma_start3A_210 = tpu.memref_slice %arg8[%dma_start3A_199, %dma_start3A_208, %dma_start3A_209] : memref<7x128x128xf32, #tpu.memory_space<vmem>> -> memref<1x128x128xf32, #tpu.memory_space<vmem>>
    %dma_start3A_211 = tpu.memref_squeeze %dma_start3A_210 : memref<1x128x128xf32, #tpu.memory_space<vmem>> -> memref<128x128xf32, #tpu.memory_space<vmem>>
    tpu.enqueue_dma source(%dma_start3A_211 : memref<128x128xf32, #tpu.memory_space<vmem>>) target(%dma_start3A_207 : memref<128x128xf32, #tpu.memory_space<hbm>>) target_semaphore(%arg19 : memref<!tpu.dma_semaphore, #tpu.memory_space<semaphore_mem>>)
    %dma_wait3A_212 = arith.constant 4 : i32
    %dma_wait3A_213 = arith.constant 0 : i32
    %dma_wait3A_214 = arith.constant 0 : i32
    %dma_wait3A_215 = tpu.memref_slice %arg8[%dma_wait3A_212, %dma_wait3A_213, %dma_wait3A_214] : memref<7x128x128xf32, #tpu.memory_space<vmem>> -> memref<1x128x128xf32, #tpu.memory_space<vmem>>
    %dma_wait3A_216 = tpu.memref_squeeze %dma_wait3A_215 : memref<1x128x128xf32, #tpu.memory_space<vmem>> -> memref<128x128xf32, #tpu.memory_space<vmem>>
    %dma_wait3A_217 = arith.constant 0 : i32
    %dma_wait3A_218 = tpu.memref_slice %arg7[%dma_wait3A_217] : memref<512xi32, #tpu.memory_space<vmem>> -> memref<128xi32, #tpu.memory_space<vmem>>
    %dma_wait3A_219 = arith.constant 0 : i32
    %dma_wait3A_220 = arith.constant 0 : i32
    %dma_wait3A_221 = tpu.memref_slice %arg4[%dma_wait3A_219, %dma_wait3A_220] : memref<100000x128xf32, #tpu.memory_space<hbm>> -> memref<100000x128xf32, #tpu.memory_space<hbm>>
    tpu.wait_indirect_dma semaphore(%arg13 : memref<!tpu.dma_semaphore, #tpu.memory_space<semaphore_mem>>) src(%dma_wait3A_221 : memref<100000x128xf32, #tpu.memory_space<hbm>>) dst(%dma_wait3A_216 : memref<128x128xf32, #tpu.memory_space<vmem>>)
    %add3A_222 = arith.constant 16384 : i32
    %add3A_223 = arith.addi %add3A_222, %mul3A_2 : i32
    %add3A_224 = arith.constant 0 : i32
    %add3A_225 = arith.addi %add3A_223, %add3A_224 : i32
    %dma_start3A_226 = arith.constant 4 : i32
    %dma_start3A_227 = arith.constant 0 : i32
    %dma_start3A_228 = arith.constant 0 : i32
    %dma_start3A_229 = tpu.memref_slice %arg8[%dma_start3A_226, %dma_start3A_227, %dma_start3A_228] : memref<7x128x128xf32, #tpu.memory_space<vmem>> -> memref<1x128x128xf32, #tpu.memory_space<vmem>>
    %dma_start3A_230 = tpu.memref_squeeze %dma_start3A_229 : memref<1x128x128xf32, #tpu.memory_space<vmem>> -> memref<128x128xf32, #tpu.memory_space<vmem>>
    %dma_start3A_231 = arith.constant 0 : i32
    %dma_start3A_232 = tpu.memref_slice %arg5[%add3A_225, %dma_start3A_231] : memref<32768x128xf32, #tpu.memory_space<hbm>> -> memref<128x128xf32, #tpu.memory_space<hbm>>
    %dma_start3A_233 = arith.constant 0 : i32
    %dma_start3A_234 = tpu.memref_slice %arg5[%add3A_225, %dma_start3A_233] : memref<32768x128xf32, #tpu.memory_space<hbm>> -> memref<128x128xf32, #tpu.memory_space<hbm>>
    %dma_start3A_235 = arith.constant 0 : i32
    %dma_start3A_236 = arith.constant 0 : i32
    %dma_start3A_237 = tpu.memref_slice %arg8[%dma_start3A_226, %dma_start3A_235, %dma_start3A_236] : memref<7x128x128xf32, #tpu.memory_space<vmem>> -> memref<1x128x128xf32, #tpu.memory_space<vmem>>
    %dma_start3A_238 = tpu.memref_squeeze %dma_start3A_237 : memref<1x128x128xf32, #tpu.memory_space<vmem>> -> memref<128x128xf32, #tpu.memory_space<vmem>>
    tpu.enqueue_dma source(%dma_start3A_238 : memref<128x128xf32, #tpu.memory_space<vmem>>) target(%dma_start3A_234 : memref<128x128xf32, #tpu.memory_space<hbm>>) target_semaphore(%arg20 : memref<!tpu.dma_semaphore, #tpu.memory_space<semaphore_mem>>)
    %dma_wait3A_239 = arith.constant 5 : i32
    %dma_wait3A_240 = arith.constant 0 : i32
    %dma_wait3A_241 = arith.constant 0 : i32
    %dma_wait3A_242 = tpu.memref_slice %arg8[%dma_wait3A_239, %dma_wait3A_240, %dma_wait3A_241] : memref<7x128x128xf32, #tpu.memory_space<vmem>> -> memref<1x128x128xf32, #tpu.memory_space<vmem>>
    %dma_wait3A_243 = tpu.memref_squeeze %dma_wait3A_242 : memref<1x128x128xf32, #tpu.memory_space<vmem>> -> memref<128x128xf32, #tpu.memory_space<vmem>>
    %dma_wait3A_244 = arith.constant 128 : i32
    %dma_wait3A_245 = tpu.memref_slice %arg7[%dma_wait3A_244] : memref<512xi32, #tpu.memory_space<vmem>> -> memref<128xi32, #tpu.memory_space<vmem>>
    %dma_wait3A_246 = arith.constant 0 : i32
    %dma_wait3A_247 = arith.constant 0 : i32
    %dma_wait3A_248 = tpu.memref_slice %arg4[%dma_wait3A_246, %dma_wait3A_247] : memref<100000x128xf32, #tpu.memory_space<hbm>> -> memref<100000x128xf32, #tpu.memory_space<hbm>>
    tpu.wait_indirect_dma semaphore(%arg14 : memref<!tpu.dma_semaphore, #tpu.memory_space<semaphore_mem>>) src(%dma_wait3A_248 : memref<100000x128xf32, #tpu.memory_space<hbm>>) dst(%dma_wait3A_243 : memref<128x128xf32, #tpu.memory_space<vmem>>)
    %add3A_249 = arith.constant 16384 : i32
    %add3A_250 = arith.addi %add3A_249, %mul3A_2 : i32
    %add3A_251 = arith.constant 128 : i32
    %add3A_252 = arith.addi %add3A_250, %add3A_251 : i32
    %dma_start3A_253 = arith.constant 5 : i32
    %dma_start3A_254 = arith.constant 0 : i32
    %dma_start3A_255 = arith.constant 0 : i32
    %dma_start3A_256 = tpu.memref_slice %arg8[%dma_start3A_253, %dma_start3A_254, %dma_start3A_255] : memref<7x128x128xf32, #tpu.memory_space<vmem>> -> memref<1x128x128xf32, #tpu.memory_space<vmem>>
    %dma_start3A_257 = tpu.memref_squeeze %dma_start3A_256 : memref<1x128x128xf32, #tpu.memory_space<vmem>> -> memref<128x128xf32, #tpu.memory_space<vmem>>
    %dma_start3A_258 = arith.constant 0 : i32
    %dma_start3A_259 = tpu.memref_slice %arg5[%add3A_252, %dma_start3A_258] : memref<32768x128xf32, #tpu.memory_space<hbm>> -> memref<128x128xf32, #tpu.memory_space<hbm>>
    %dma_start3A_260 = arith.constant 0 : i32
    %dma_start3A_261 = tpu.memref_slice %arg5[%add3A_252, %dma_start3A_260] : memref<32768x128xf32, #tpu.memory_space<hbm>> -> memref<128x128xf32, #tpu.memory_space<hbm>>
    %dma_start3A_262 = arith.constant 0 : i32
    %dma_start3A_263 = arith.constant 0 : i32
    %dma_start3A_264 = tpu.memref_slice %arg8[%dma_start3A_253, %dma_start3A_262, %dma_start3A_263] : memref<7x128x128xf32, #tpu.memory_space<vmem>> -> memref<1x128x128xf32, #tpu.memory_space<vmem>>
    %dma_start3A_265 = tpu.memref_squeeze %dma_start3A_264 : memref<1x128x128xf32, #tpu.memory_space<vmem>> -> memref<128x128xf32, #tpu.memory_space<vmem>>
    tpu.enqueue_dma source(%dma_start3A_265 : memref<128x128xf32, #tpu.memory_space<vmem>>) target(%dma_start3A_261 : memref<128x128xf32, #tpu.memory_space<hbm>>) target_semaphore(%arg21 : memref<!tpu.dma_semaphore, #tpu.memory_space<semaphore_mem>>)
    %dma_wait3A_266 = arith.constant 6 : i32
    %dma_wait3A_267 = arith.constant 0 : i32
    %dma_wait3A_268 = arith.constant 0 : i32
    %dma_wait3A_269 = tpu.memref_slice %arg8[%dma_wait3A_266, %dma_wait3A_267, %dma_wait3A_268] : memref<7x128x128xf32, #tpu.memory_space<vmem>> -> memref<1x128x128xf32, #tpu.memory_space<vmem>>
    %dma_wait3A_270 = tpu.memref_squeeze %dma_wait3A_269 : memref<1x128x128xf32, #tpu.memory_space<vmem>> -> memref<128x128xf32, #tpu.memory_space<vmem>>
    %dma_wait3A_271 = arith.constant 256 : i32
    %dma_wait3A_272 = tpu.memref_slice %arg7[%dma_wait3A_271] : memref<512xi32, #tpu.memory_space<vmem>> -> memref<128xi32, #tpu.memory_space<vmem>>
    %dma_wait3A_273 = arith.constant 0 : i32
    %dma_wait3A_274 = arith.constant 0 : i32
    %dma_wait3A_275 = tpu.memref_slice %arg4[%dma_wait3A_273, %dma_wait3A_274] : memref<100000x128xf32, #tpu.memory_space<hbm>> -> memref<100000x128xf32, #tpu.memory_space<hbm>>
    tpu.wait_indirect_dma semaphore(%arg15 : memref<!tpu.dma_semaphore, #tpu.memory_space<semaphore_mem>>) src(%dma_wait3A_275 : memref<100000x128xf32, #tpu.memory_space<hbm>>) dst(%dma_wait3A_270 : memref<128x128xf32, #tpu.memory_space<vmem>>)
    %add3A_276 = arith.constant 16384 : i32
    %add3A_277 = arith.addi %add3A_276, %mul3A_2 : i32
    %add3A_278 = arith.constant 256 : i32
    %add3A_279 = arith.addi %add3A_277, %add3A_278 : i32
    %dma_start3A_280 = arith.constant 6 : i32
    %dma_start3A_281 = arith.constant 0 : i32
    %dma_start3A_282 = arith.constant 0 : i32
    %dma_start3A_283 = tpu.memref_slice %arg8[%dma_start3A_280, %dma_start3A_281, %dma_start3A_282] : memref<7x128x128xf32, #tpu.memory_space<vmem>> -> memref<1x128x128xf32, #tpu.memory_space<vmem>>
    %dma_start3A_284 = tpu.memref_squeeze %dma_start3A_283 : memref<1x128x128xf32, #tpu.memory_space<vmem>> -> memref<128x128xf32, #tpu.memory_space<vmem>>
    %dma_start3A_285 = arith.constant 0 : i32
    %dma_start3A_286 = tpu.memref_slice %arg5[%add3A_279, %dma_start3A_285] : memref<32768x128xf32, #tpu.memory_space<hbm>> -> memref<128x128xf32, #tpu.memory_space<hbm>>
    %dma_start3A_287 = arith.constant 0 : i32
    %dma_start3A_288 = tpu.memref_slice %arg5[%add3A_279, %dma_start3A_287] : memref<32768x128xf32, #tpu.memory_space<hbm>> -> memref<128x128xf32, #tpu.memory_space<hbm>>
    %dma_start3A_289 = arith.constant 0 : i32
    %dma_start3A_290 = arith.constant 0 : i32
    %dma_start3A_291 = tpu.memref_slice %arg8[%dma_start3A_280, %dma_start3A_289, %dma_start3A_290] : memref<7x128x128xf32, #tpu.memory_space<vmem>> -> memref<1x128x128xf32, #tpu.memory_space<vmem>>
    %dma_start3A_292 = tpu.memref_squeeze %dma_start3A_291 : memref<1x128x128xf32, #tpu.memory_space<vmem>> -> memref<128x128xf32, #tpu.memory_space<vmem>>
    tpu.enqueue_dma source(%dma_start3A_292 : memref<128x128xf32, #tpu.memory_space<vmem>>) target(%dma_start3A_288 : memref<128x128xf32, #tpu.memory_space<hbm>>) target_semaphore(%arg22 : memref<!tpu.dma_semaphore, #tpu.memory_space<semaphore_mem>>)
    %dma_wait3A_293 = arith.constant 0 : i32
    %dma_wait3A_294 = arith.constant 0 : i32
    %dma_wait3A_295 = arith.constant 0 : i32
    %dma_wait3A_296 = tpu.memref_slice %arg8[%dma_wait3A_293, %dma_wait3A_294, %dma_wait3A_295] : memref<7x128x128xf32, #tpu.memory_space<vmem>> -> memref<1x128x128xf32, #tpu.memory_space<vmem>>
    %dma_wait3A_297 = tpu.memref_squeeze %dma_wait3A_296 : memref<1x128x128xf32, #tpu.memory_space<vmem>> -> memref<128x128xf32, #tpu.memory_space<vmem>>
    %dma_wait3A_298 = arith.constant 384 : i32
    %dma_wait3A_299 = tpu.memref_slice %arg7[%dma_wait3A_298] : memref<512xi32, #tpu.memory_space<vmem>> -> memref<128xi32, #tpu.memory_space<vmem>>
    %dma_wait3A_300 = arith.constant 0 : i32
    %dma_wait3A_301 = arith.constant 0 : i32
    %dma_wait3A_302 = tpu.memref_slice %arg4[%dma_wait3A_300, %dma_wait3A_301] : memref<100000x128xf32, #tpu.memory_space<hbm>> -> memref<100000x128xf32, #tpu.memory_space<hbm>>
    tpu.wait_indirect_dma semaphore(%arg9 : memref<!tpu.dma_semaphore, #tpu.memory_space<semaphore_mem>>) src(%dma_wait3A_302 : memref<100000x128xf32, #tpu.memory_space<hbm>>) dst(%dma_wait3A_297 : memref<128x128xf32, #tpu.memory_space<vmem>>)
    %add3A_303 = arith.constant 16384 : i32
    %add3A_304 = arith.addi %add3A_303, %mul3A_2 : i32
    %add3A_305 = arith.constant 384 : i32
    %add3A_306 = arith.addi %add3A_304, %add3A_305 : i32
    %dma_start3A_307 = arith.constant 0 : i32
    %dma_start3A_308 = arith.constant 0 : i32
    %dma_start3A_309 = arith.constant 0 : i32
    %dma_start3A_310 = tpu.memref_slice %arg8[%dma_start3A_307, %dma_start3A_308, %dma_start3A_309] : memref<7x128x128xf32, #tpu.memory_space<vmem>> -> memref<1x128x128xf32, #tpu.memory_space<vmem>>
    %dma_start3A_311 = tpu.memref_squeeze %dma_start3A_310 : memref<1x128x128xf32, #tpu.memory_space<vmem>> -> memref<128x128xf32, #tpu.memory_space<vmem>>
    %dma_start3A_312 = arith.constant 0 : i32
    %dma_start3A_313 = tpu.memref_slice %arg5[%add3A_306, %dma_start3A_312] : memref<32768x128xf32, #tpu.memory_space<hbm>> -> memref<128x128xf32, #tpu.memory_space<hbm>>
    %dma_start3A_314 = arith.constant 0 : i32
    %dma_start3A_315 = tpu.memref_slice %arg5[%add3A_306, %dma_start3A_314] : memref<32768x128xf32, #tpu.memory_space<hbm>> -> memref<128x128xf32, #tpu.memory_space<hbm>>
    %dma_start3A_316 = arith.constant 0 : i32
    %dma_start3A_317 = arith.constant 0 : i32
    %dma_start3A_318 = tpu.memref_slice %arg8[%dma_start3A_307, %dma_start3A_316, %dma_start3A_317] : memref<7x128x128xf32, #tpu.memory_space<vmem>> -> memref<1x128x128xf32, #tpu.memory_space<vmem>>
    %dma_start3A_319 = tpu.memref_squeeze %dma_start3A_318 : memref<1x128x128xf32, #tpu.memory_space<vmem>> -> memref<128x128xf32, #tpu.memory_space<vmem>>
    tpu.enqueue_dma source(%dma_start3A_319 : memref<128x128xf32, #tpu.memory_space<vmem>>) target(%dma_start3A_315 : memref<128x128xf32, #tpu.memory_space<hbm>>) target_semaphore(%arg16 : memref<!tpu.dma_semaphore, #tpu.memory_space<semaphore_mem>>)
    %dma_wait3A_320 = arith.constant 0 : i32
    %dma_wait3A_321 = arith.constant 0 : i32
    %dma_wait3A_322 = arith.constant 0 : i32
    %dma_wait3A_323 = tpu.memref_slice %arg8[%dma_wait3A_320, %dma_wait3A_321, %dma_wait3A_322] : memref<7x128x128xf32, #tpu.memory_space<vmem>> -> memref<1x128x128xf32, #tpu.memory_space<vmem>>
    %dma_wait3A_324 = tpu.memref_squeeze %dma_wait3A_323 : memref<1x128x128xf32, #tpu.memory_space<vmem>> -> memref<128x128xf32, #tpu.memory_space<vmem>>
    %dma_wait3A_325 = arith.constant 0 : i32
    %dma_wait3A_326 = tpu.memref_slice %arg5[%add3A_306, %dma_wait3A_325] : memref<32768x128xf32, #tpu.memory_space<hbm>> -> memref<128x128xf32, #tpu.memory_space<hbm>>
    %dma_wait3A_327 = arith.constant 0 : i32
    %dma_wait3A_328 = tpu.memref_slice %arg5[%add3A_306, %dma_wait3A_327] : memref<32768x128xf32, #tpu.memory_space<hbm>> -> memref<128x128xf32, #tpu.memory_space<hbm>>
    %dma_wait3A_329 = arith.constant 0 : i32
    %dma_wait3A_330 = arith.constant 0 : i32
    %dma_wait3A_331 = tpu.memref_slice %arg8[%dma_wait3A_320, %dma_wait3A_329, %dma_wait3A_330] : memref<7x128x128xf32, #tpu.memory_space<vmem>> -> memref<1x128x128xf32, #tpu.memory_space<vmem>>
    %dma_wait3A_332 = tpu.memref_squeeze %dma_wait3A_331 : memref<1x128x128xf32, #tpu.memory_space<vmem>> -> memref<128x128xf32, #tpu.memory_space<vmem>>
    tpu.wait_dma2 semaphore(%arg16 : memref<!tpu.dma_semaphore, #tpu.memory_space<semaphore_mem>>) src(%dma_wait3A_332 : memref<128x128xf32, #tpu.memory_space<vmem>>) dst(%dma_wait3A_328 : memref<128x128xf32, #tpu.memory_space<hbm>>)
    %dma_wait3A_333 = arith.constant 1 : i32
    %dma_wait3A_334 = arith.constant 0 : i32
    %dma_wait3A_335 = arith.constant 0 : i32
    %dma_wait3A_336 = tpu.memref_slice %arg8[%dma_wait3A_333, %dma_wait3A_334, %dma_wait3A_335] : memref<7x128x128xf32, #tpu.memory_space<vmem>> -> memref<1x128x128xf32, #tpu.memory_space<vmem>>
    %dma_wait3A_337 = tpu.memref_squeeze %dma_wait3A_336 : memref<1x128x128xf32, #tpu.memory_space<vmem>> -> memref<128x128xf32, #tpu.memory_space<vmem>>
    %dma_wait3A_338 = arith.constant 0 : i32
    %dma_wait3A_339 = tpu.memref_slice %arg5[%add3A_144, %dma_wait3A_338] : memref<32768x128xf32, #tpu.memory_space<hbm>> -> memref<128x128xf32, #tpu.memory_space<hbm>>
    %dma_wait3A_340 = arith.constant 0 : i32
    %dma_wait3A_341 = tpu.memref_slice %arg5[%add3A_144, %dma_wait3A_340] : memref<32768x128xf32, #tpu.memory_space<hbm>> -> memref<128x128xf32, #tpu.memory_space<hbm>>
    %dma_wait3A_342 = arith.constant 0 : i32
    %dma_wait3A_343 = arith.constant 0 : i32
    %dma_wait3A_344 = tpu.memref_slice %arg8[%dma_wait3A_333, %dma_wait3A_342, %dma_wait3A_343] : memref<7x128x128xf32, #tpu.memory_space<vmem>> -> memref<1x128x128xf32, #tpu.memory_space<vmem>>
    %dma_wait3A_345 = tpu.memref_squeeze %dma_wait3A_344 : memref<1x128x128xf32, #tpu.memory_space<vmem>> -> memref<128x128xf32, #tpu.memory_space<vmem>>
    tpu.wait_dma2 semaphore(%arg17 : memref<!tpu.dma_semaphore, #tpu.memory_space<semaphore_mem>>) src(%dma_wait3A_345 : memref<128x128xf32, #tpu.memory_space<vmem>>) dst(%dma_wait3A_341 : memref<128x128xf32, #tpu.memory_space<hbm>>)
    %dma_wait3A_346 = arith.constant 2 : i32
    %dma_wait3A_347 = arith.constant 0 : i32
    %dma_wait3A_348 = arith.constant 0 : i32
    %dma_wait3A_349 = tpu.memref_slice %arg8[%dma_wait3A_346, %dma_wait3A_347, %dma_wait3A_348] : memref<7x128x128xf32, #tpu.memory_space<vmem>> -> memref<1x128x128xf32, #tpu.memory_space<vmem>>
    %dma_wait3A_350 = tpu.memref_squeeze %dma_wait3A_349 : memref<1x128x128xf32, #tpu.memory_space<vmem>> -> memref<128x128xf32, #tpu.memory_space<vmem>>
    %dma_wait3A_351 = arith.constant 0 : i32
    %dma_wait3A_352 = tpu.memref_slice %arg5[%add3A_171, %dma_wait3A_351] : memref<32768x128xf32, #tpu.memory_space<hbm>> -> memref<128x128xf32, #tpu.memory_space<hbm>>
    %dma_wait3A_353 = arith.constant 0 : i32
    %dma_wait3A_354 = tpu.memref_slice %arg5[%add3A_171, %dma_wait3A_353] : memref<32768x128xf32, #tpu.memory_space<hbm>> -> memref<128x128xf32, #tpu.memory_space<hbm>>
    %dma_wait3A_355 = arith.constant 0 : i32
    %dma_wait3A_356 = arith.constant 0 : i32
    %dma_wait3A_357 = tpu.memref_slice %arg8[%dma_wait3A_346, %dma_wait3A_355, %dma_wait3A_356] : memref<7x128x128xf32, #tpu.memory_space<vmem>> -> memref<1x128x128xf32, #tpu.memory_space<vmem>>
    %dma_wait3A_358 = tpu.memref_squeeze %dma_wait3A_357 : memref<1x128x128xf32, #tpu.memory_space<vmem>> -> memref<128x128xf32, #tpu.memory_space<vmem>>
    tpu.wait_dma2 semaphore(%arg18 : memref<!tpu.dma_semaphore, #tpu.memory_space<semaphore_mem>>) src(%dma_wait3A_358 : memref<128x128xf32, #tpu.memory_space<vmem>>) dst(%dma_wait3A_354 : memref<128x128xf32, #tpu.memory_space<hbm>>)
    %dma_wait3A_359 = arith.constant 3 : i32
    %dma_wait3A_360 = arith.constant 0 : i32
    %dma_wait3A_361 = arith.constant 0 : i32
    %dma_wait3A_362 = tpu.memref_slice %arg8[%dma_wait3A_359, %dma_wait3A_360, %dma_wait3A_361] : memref<7x128x128xf32, #tpu.memory_space<vmem>> -> memref<1x128x128xf32, #tpu.memory_space<vmem>>
    %dma_wait3A_363 = tpu.memref_squeeze %dma_wait3A_362 : memref<1x128x128xf32, #tpu.memory_space<vmem>> -> memref<128x128xf32, #tpu.memory_space<vmem>>
    %dma_wait3A_364 = arith.constant 0 : i32
    %dma_wait3A_365 = tpu.memref_slice %arg5[%add3A_198, %dma_wait3A_364] : memref<32768x128xf32, #tpu.memory_space<hbm>> -> memref<128x128xf32, #tpu.memory_space<hbm>>
    %dma_wait3A_366 = arith.constant 0 : i32
    %dma_wait3A_367 = tpu.memref_slice %arg5[%add3A_198, %dma_wait3A_366] : memref<32768x128xf32, #tpu.memory_space<hbm>> -> memref<128x128xf32, #tpu.memory_space<hbm>>
    %dma_wait3A_368 = arith.constant 0 : i32
    %dma_wait3A_369 = arith.constant 0 : i32
    %dma_wait3A_370 = tpu.memref_slice %arg8[%dma_wait3A_359, %dma_wait3A_368, %dma_wait3A_369] : memref<7x128x128xf32, #tpu.memory_space<vmem>> -> memref<1x128x128xf32, #tpu.memory_space<vmem>>
    %dma_wait3A_371 = tpu.memref_squeeze %dma_wait3A_370 : memref<1x128x128xf32, #tpu.memory_space<vmem>> -> memref<128x128xf32, #tpu.memory_space<vmem>>
    tpu.wait_dma2 semaphore(%arg19 : memref<!tpu.dma_semaphore, #tpu.memory_space<semaphore_mem>>) src(%dma_wait3A_371 : memref<128x128xf32, #tpu.memory_space<vmem>>) dst(%dma_wait3A_367 : memref<128x128xf32, #tpu.memory_space<hbm>>)
    %dma_wait3A_372 = arith.constant 4 : i32
    %dma_wait3A_373 = arith.constant 0 : i32
    %dma_wait3A_374 = arith.constant 0 : i32
    %dma_wait3A_375 = tpu.memref_slice %arg8[%dma_wait3A_372, %dma_wait3A_373, %dma_wait3A_374] : memref<7x128x128xf32, #tpu.memory_space<vmem>> -> memref<1x128x128xf32, #tpu.memory_space<vmem>>
    %dma_wait3A_376 = tpu.memref_squeeze %dma_wait3A_375 : memref<1x128x128xf32, #tpu.memory_space<vmem>> -> memref<128x128xf32, #tpu.memory_space<vmem>>
    %dma_wait3A_377 = arith.constant 0 : i32
    %dma_wait3A_378 = tpu.memref_slice %arg5[%add3A_225, %dma_wait3A_377] : memref<32768x128xf32, #tpu.memory_space<hbm>> -> memref<128x128xf32, #tpu.memory_space<hbm>>
    %dma_wait3A_379 = arith.constant 0 : i32
    %dma_wait3A_380 = tpu.memref_slice %arg5[%add3A_225, %dma_wait3A_379] : memref<32768x128xf32, #tpu.memory_space<hbm>> -> memref<128x128xf32, #tpu.memory_space<hbm>>
    %dma_wait3A_381 = arith.constant 0 : i32
    %dma_wait3A_382 = arith.constant 0 : i32
    %dma_wait3A_383 = tpu.memref_slice %arg8[%dma_wait3A_372, %dma_wait3A_381, %dma_wait3A_382] : memref<7x128x128xf32, #tpu.memory_space<vmem>> -> memref<1x128x128xf32, #tpu.memory_space<vmem>>
    %dma_wait3A_384 = tpu.memref_squeeze %dma_wait3A_383 : memref<1x128x128xf32, #tpu.memory_space<vmem>> -> memref<128x128xf32, #tpu.memory_space<vmem>>
    tpu.wait_dma2 semaphore(%arg20 : memref<!tpu.dma_semaphore, #tpu.memory_space<semaphore_mem>>) src(%dma_wait3A_384 : memref<128x128xf32, #tpu.memory_space<vmem>>) dst(%dma_wait3A_380 : memref<128x128xf32, #tpu.memory_space<hbm>>)
    %dma_wait3A_385 = arith.constant 5 : i32
    %dma_wait3A_386 = arith.constant 0 : i32
    %dma_wait3A_387 = arith.constant 0 : i32
    %dma_wait3A_388 = tpu.memref_slice %arg8[%dma_wait3A_385, %dma_wait3A_386, %dma_wait3A_387] : memref<7x128x128xf32, #tpu.memory_space<vmem>> -> memref<1x128x128xf32, #tpu.memory_space<vmem>>
    %dma_wait3A_389 = tpu.memref_squeeze %dma_wait3A_388 : memref<1x128x128xf32, #tpu.memory_space<vmem>> -> memref<128x128xf32, #tpu.memory_space<vmem>>
    %dma_wait3A_390 = arith.constant 0 : i32
    %dma_wait3A_391 = tpu.memref_slice %arg5[%add3A_252, %dma_wait3A_390] : memref<32768x128xf32, #tpu.memory_space<hbm>> -> memref<128x128xf32, #tpu.memory_space<hbm>>
    %dma_wait3A_392 = arith.constant 0 : i32
    %dma_wait3A_393 = tpu.memref_slice %arg5[%add3A_252, %dma_wait3A_392] : memref<32768x128xf32, #tpu.memory_space<hbm>> -> memref<128x128xf32, #tpu.memory_space<hbm>>
    %dma_wait3A_394 = arith.constant 0 : i32
    %dma_wait3A_395 = arith.constant 0 : i32
    %dma_wait3A_396 = tpu.memref_slice %arg8[%dma_wait3A_385, %dma_wait3A_394, %dma_wait3A_395] : memref<7x128x128xf32, #tpu.memory_space<vmem>> -> memref<1x128x128xf32, #tpu.memory_space<vmem>>
    %dma_wait3A_397 = tpu.memref_squeeze %dma_wait3A_396 : memref<1x128x128xf32, #tpu.memory_space<vmem>> -> memref<128x128xf32, #tpu.memory_space<vmem>>
    tpu.wait_dma2 semaphore(%arg21 : memref<!tpu.dma_semaphore, #tpu.memory_space<semaphore_mem>>) src(%dma_wait3A_397 : memref<128x128xf32, #tpu.memory_space<vmem>>) dst(%dma_wait3A_393 : memref<128x128xf32, #tpu.memory_space<hbm>>)
    %dma_wait3A_398 = arith.constant 6 : i32
    %dma_wait3A_399 = arith.constant 0 : i32
    %dma_wait3A_400 = arith.constant 0 : i32
    %dma_wait3A_401 = tpu.memref_slice %arg8[%dma_wait3A_398, %dma_wait3A_399, %dma_wait3A_400] : memref<7x128x128xf32, #tpu.memory_space<vmem>> -> memref<1x128x128xf32, #tpu.memory_space<vmem>>
    %dma_wait3A_402 = tpu.memref_squeeze %dma_wait3A_401 : memref<1x128x128xf32, #tpu.memory_space<vmem>> -> memref<128x128xf32, #tpu.memory_space<vmem>>
    %dma_wait3A_403 = arith.constant 0 : i32
    %dma_wait3A_404 = tpu.memref_slice %arg5[%add3A_279, %dma_wait3A_403] : memref<32768x128xf32, #tpu.memory_space<hbm>> -> memref<128x128xf32, #tpu.memory_space<hbm>>
    %dma_wait3A_405 = arith.constant 0 : i32
    %dma_wait3A_406 = tpu.memref_slice %arg5[%add3A_279, %dma_wait3A_405] : memref<32768x128xf32, #tpu.memory_space<hbm>> -> memref<128x128xf32, #tpu.memory_space<hbm>>
    %dma_wait3A_407 = arith.constant 0 : i32
    %dma_wait3A_408 = arith.constant 0 : i32
    %dma_wait3A_409 = tpu.memref_slice %arg8[%dma_wait3A_398, %dma_wait3A_407, %dma_wait3A_408] : memref<7x128x128xf32, #tpu.memory_space<vmem>> -> memref<1x128x128xf32, #tpu.memory_space<vmem>>
    %dma_wait3A_410 = tpu.memref_squeeze %dma_wait3A_409 : memref<1x128x128xf32, #tpu.memory_space<vmem>> -> memref<128x128xf32, #tpu.memory_space<vmem>>
    tpu.wait_dma2 semaphore(%arg22 : memref<!tpu.dma_semaphore, #tpu.memory_space<semaphore_mem>>) src(%dma_wait3A_410 : memref<128x128xf32, #tpu.memory_space<vmem>>) dst(%dma_wait3A_406 : memref<128x128xf32, #tpu.memory_space<hbm>>)
    return
  }
}

module attributes {stable_mosaic.version = 14 : i64} {
  func.func @mlp_kernel(%arg0: i32, %arg1: memref<8192x128xf32, #tpu.memory_space<vmem>>, %arg2: memref<8192x128xf32, #tpu.memory_space<vmem>>, %arg3: memref<384x8xf32, #tpu.memory_space<vmem>>, %arg4: memref<8xf32, #tpu.memory_space<vmem>>, %arg5: memref<8x1xf32, #tpu.memory_space<vmem>>, %arg6: memref<1xf32, #tpu.memory_space<vmem>>, %arg7: memref<1x8192xf32, #tpu.memory_space<vmem>>) attributes {dimension_semantics = [#tpu.dimension_semantics<arbitrary>], iteration_bounds = array<i64: 2>, scalar_prefetch = 0 : i64, scratch_operands = 0 : i64, tpu.core_type = #tpu.core_type<tc>, window_params = [{transform_indices = @transform_0, window_bounds = array<i64: 8192, 128>}, {transform_indices = @transform_1, window_bounds = array<i64: 8192, 128>}, {pipeline_mode = #tpu.pipeline_mode<synchronous>, transform_indices = @transform_2, window_bounds = array<i64: 384, 8>}, {pipeline_mode = #tpu.pipeline_mode<synchronous>, transform_indices = @transform_3, window_bounds = array<i64: 8>}, {pipeline_mode = #tpu.pipeline_mode<synchronous>, transform_indices = @transform_4, window_bounds = array<i64: 8, 1>}, {pipeline_mode = #tpu.pipeline_mode<synchronous>, transform_indices = @transform_5, window_bounds = array<i64: 1>}, {transform_indices = @transform_6, window_bounds = array<i64: 1, 8192>}]} {
    %get3A = arith.constant 0 : index
    %get3A_0 = arith.constant 0 : index
    %get3A_1 = vector.load %arg1[%get3A, %get3A_0] : memref<8192x128xf32, #tpu.memory_space<vmem>>, vector<8192x128xf32>
    %get3A_2 = arith.constant 0 : index
    %get3A_3 = arith.constant 0 : index
    %get3A_4 = vector.load %arg2[%get3A_2, %get3A_3] : memref<8192x128xf32, #tpu.memory_space<vmem>>, vector<8192x128xf32>
    %mul3A = arith.mulf %get3A_1, %get3A_4 : vector<8192x128xf32>
    %get3A_5 = arith.constant 0 : index
    %get3A_6 = arith.constant 0 : index
    %get3A_7 = vector.load %arg3[%get3A_5, %get3A_6] : memref<384x8xf32, #tpu.memory_space<vmem>>, vector<128x8xf32>
    %dot_general3A = arith.constant dense<0.000000e+00> : vector<8x8192xf32>
    %dot_general3A_8 = tpu.matmul %get3A_7, %mul3A, %dot_general3A {dimension_numbers = #tpu.dot_dimension_numbers<[0], [1], [1], [0], [0, 1, 1, 0], [], []>, transpose_lhs_hint = false} : vector<128x8xf32>, vector<8192x128xf32>, vector<8x8192xf32> -> vector<8x8192xf32>
    %get3A_9 = arith.constant 128 : index
    %get3A_10 = arith.constant 0 : index
    %get3A_11 = vector.load %arg3[%get3A_9, %get3A_10] : memref<384x8xf32, #tpu.memory_space<vmem>>, vector<128x8xf32>
    %dot_general3A_12 = arith.constant dense<0.000000e+00> : vector<8x8192xf32>
    %dot_general3A_13 = tpu.matmul %get3A_11, %get3A_1, %dot_general3A_12 {dimension_numbers = #tpu.dot_dimension_numbers<[0], [1], [1], [0], [0, 1, 1, 0], [], []>, transpose_lhs_hint = false} : vector<128x8xf32>, vector<8192x128xf32>, vector<8x8192xf32> -> vector<8x8192xf32>
    %add3A = arith.addf %dot_general3A_8, %dot_general3A_13 : vector<8x8192xf32>
    %get3A_14 = arith.constant 256 : index
    %get3A_15 = arith.constant 0 : index
    %get3A_16 = vector.load %arg3[%get3A_14, %get3A_15] : memref<384x8xf32, #tpu.memory_space<vmem>>, vector<128x8xf32>
    %dot_general3A_17 = arith.constant dense<0.000000e+00> : vector<8x8192xf32>
    %dot_general3A_18 = tpu.matmul %get3A_16, %get3A_4, %dot_general3A_17 {dimension_numbers = #tpu.dot_dimension_numbers<[0], [1], [1], [0], [0, 1, 1, 0], [], []>, transpose_lhs_hint = false} : vector<128x8xf32>, vector<8192x128xf32>, vector<8x8192xf32> -> vector<8x8192xf32>
    %add3A_19 = arith.addf %add3A, %dot_general3A_18 : vector<8x8192xf32>
    %get3A_20 = arith.constant 0 : index
    %get3A_21 = vector.load %arg4[%get3A_20] : memref<8xf32, #tpu.memory_space<vmem>>, vector<8xf32>
    %reshape3A = vector.shape_cast %get3A_21 : vector<8xf32> to vector<8x1xf32>
    %add3A_22 = vector.broadcast %reshape3A : vector<8x1xf32> to vector<8x8192xf32>
    %add3A_23 = arith.addf %add3A_19, %add3A_22 : vector<8x8192xf32>
    %max3A = arith.constant 0.000000e+00 : f32
    %max3A_24 = vector.broadcast %max3A : f32 to vector<8x8192xf32>
    %max3A_25 = arith.maximumf %add3A_23, %max3A_24 : vector<8x8192xf32>
    %get3A_26 = arith.constant 0 : index
    %get3A_27 = arith.constant 0 : index
    %get3A_28 = vector.load %arg5[%get3A_26, %get3A_27] : memref<8x1xf32, #tpu.memory_space<vmem>>, vector<8x1xf32>
    %mul3A_29 = vector.broadcast %get3A_28 : vector<8x1xf32> to vector<8x8192xf32>
    %mul3A_30 = arith.mulf %max3A_25, %mul3A_29 : vector<8x8192xf32>
    %reduce_sum3A = arith.constant dense<0.000000e+00> : vector<8192xf32>
    %reduce_sum3A_31 = vector.multi_reduction <add>, %mul3A_30, %reduce_sum3A [0] : vector<8x8192xf32> to vector<8192xf32>
    %broadcast_in_dim3A = vector.shape_cast %reduce_sum3A_31 : vector<8192xf32> to vector<1x8192xf32>
    %get3A_32 = arith.constant 0 : index
    %get3A_33 = vector.load %arg6[%get3A_32] : memref<1xf32, #tpu.memory_space<vmem>>, vector<1xf32>
    %reshape3A_34 = vector.shape_cast %get3A_33 : vector<1xf32> to vector<1x1xf32>
    %add3A_35 = vector.broadcast %reshape3A_34 : vector<1x1xf32> to vector<1x8192xf32>
    %add3A_36 = arith.addf %broadcast_in_dim3A, %add3A_35 : vector<1x8192xf32>
    %logistic3A = arith.negf %add3A_36 : vector<1x8192xf32>
    %logistic3A_37 = math.exp %logistic3A : vector<1x8192xf32>
    %logistic3A_38 = arith.constant 1.000000e+00 : f32
    %logistic3A_39 = vector.broadcast %logistic3A_38 : f32 to vector<1x8192xf32>
    %logistic3A_40 = arith.addf %logistic3A_39, %logistic3A_37 : vector<1x8192xf32>
    %logistic3A_41 = arith.divf %logistic3A_39, %logistic3A_40 : vector<1x8192xf32>
    %swap3A = arith.constant 0 : index
    %swap3A_42 = arith.constant 0 : index
    %swap3A_43 = vector.load %arg7[%swap3A, %swap3A_42] : memref<1x8192xf32, #tpu.memory_space<vmem>>, vector<1x8192xf32>
    tpu.vector_store %arg7[%swap3A, %swap3A_42], %logistic3A_41 {strides = array<i32>} : memref<1x8192xf32, #tpu.memory_space<vmem>>, vector<1x8192xf32>,
    return
  }
  func.func @transform_0(%arg0: i32) -> (i32, i32) {
    %c0_i32 = arith.constant 0 : i32
    %c0_i32_0 = arith.constant 0 : i32
    return %arg0, %c0_i32 : i32, i32
  }
  func.func @transform_1(%arg0: i32) -> (i32, i32) {
    %add3A = arith.constant 2 : i32
    %add3A_0 = arith.addi %arg0, %add3A : i32
    %c0_i32 = arith.constant 0 : i32
    %c0_i32_1 = arith.constant 0 : i32
    return %add3A_0, %c0_i32 : i32, i32
  }
  func.func @transform_2(%arg0: i32) -> (i32, i32) {
    %c0_i32 = arith.constant 0 : i32
    %c0_i32_0 = arith.constant 0 : i32
    %c0_i32_1 = arith.constant 0 : i32
    return %c0_i32, %c0_i32_0 : i32, i32
  }
  func.func @transform_3(%arg0: i32) -> i32 {
    %c0_i32 = arith.constant 0 : i32
    %c0_i32_0 = arith.constant 0 : i32
    return %c0_i32 : i32
  }
  func.func @transform_4(%arg0: i32) -> (i32, i32) {
    %c0_i32 = arith.constant 0 : i32
    %c0_i32_0 = arith.constant 0 : i32
    %c0_i32_1 = arith.constant 0 : i32
    return %c0_i32, %c0_i32_0 : i32, i32
  }
  func.func @transform_5(%arg0: i32) -> i32 {
    %c0_i32 = arith.constant 0 : i32
    %c0_i32_0 = arith.constant 0 : i32
    return %c0_i32 : i32
  }
  func.func @transform_6(%arg0: i32) -> (i32, i32) {
    %c0_i32 = arith.constant 0 : i32
    %c0_i32_0 = arith.constant 0 : i32
    return %c0_i32, %arg0 : i32, i32
  }
}

</mosaic_0001>

<sc_bundles>
// kernel: kernel.4.cloned.1.call-start
scs
__scs_entry_jumppad:
0x0: {  	(pc) =	sbr.rel $0x88, $3  }
0x1: {  	(tag) =	ssettag $0x0;
	lr =	simm.s32 $0x1  }
0x2: {  	[smem:$0x3F99] =	sst lr;
	_ =	strace $0xD0000000  }
0x3: {  	_ = 	snop  }
0x4: {  	_ = 	snop  }
0x5: {  	_ = 	snop  }
0x6: {  	_ = 	snop  }
0x7: {  	_ = 	snop  }
__scs_overlays_trampoline_lowered:
0x8: {  	[smem:$0x3FA8] =	sst s0  }
0x9: {  	[smem:$0x3FA9] =	sst s1  }
0xa: {  	[smem:$0x3FAA] =	sst s2  }
0xb: {  	[smem:$0x3FAB] =	sst s3  }
0xc: {  	[smem:$0x3FAC] =	sst s4  }
0xd: {  	[smem:$0x3FAD] =	sst s5  }
0xe: {  	[smem:$0x3FAE] =	sst s6  }
0xf: {  	[smem:$0x3FAF] =	sst s7  }
0x10: {  	[smem:$0x3FB0] =	sst s8  }
0x11: {  	[smem:$0x3FB1] =	sst s9;
	s0 =	simm.s32 @!p0 $0x0  }
0x12: {  	s1 =	sld [smem:$0x3F97];
	s0 =	simm.s32 @p0 $0x1  }
0x13: {  	[smem:$0x3FB2] =	sst s0;
	s0 =	simm.s32 @!p1 $0x0  }
0x14: {  	s2 =	sld [smem:$0x3F96];
	s0 =	simm.s32 @p1 $0x1  }
0x15: {  	[smem:$0x3FB3] =	sst s0;
	s0 =	simm.s32 @!p2 $0x0  }
0x16: {  	s3 =	sld [smem:$0x3FDB];
	s0 =	simm.s32 @p2 $0x1  }
0x17: {  	s4 =	simm.s32 $0x1BF5;
	[smem:$0x3FB5] =	sst s0  }
0x18: {  	s0 =	sld [smem:$0x3F98];
	_ =	swait.ge [sflag:s4], $0x0  }
0x19: {  	s7 =	sld [smem:$0x3F99]  }
0x1a: {  	s8 =	sadd.s32 $0xFFFFE003, lr  }
0x1b: {  	s9 =	sadd.s32 $0xFFFFFEF7, lr;
	s5 =	simm.s32 $0xFFFFFFFF;
	p2 =	slt.u32 s8, $0xFFFFF086  }
0x1c: {  	p1 =	slt.u32 s9, $0xF7A;
	s5 =	simm.s32 @!p2 $0x0  }
0x1d: {  	s5 =	simm.s32 @p1 $0x1;
	p0 =	seq.s32 s7, s2  }
0x1e: {  	s7 =	smul.u32 @!p0 $0xF7A, s2;
	p2 =	seq.s32 @!p0 s5, $0x0  }
0x1f: {  	s9 =	smul.u32 $0xF7A, s1;
	s8 =	simm.s32 @!p0 $0x1BF5;
	p2 =	por !p2, p0  }
0x20: {  	[sflag:s8] =	ssyncset.s32 @!p0 $0xFFFFF086;
	s6 =	sadd.s32 @!p0 s3, s7;
	s7 =	simm.s32 @!p0 $0x108  }
0x21: {  	s3 =	sadd.s32 s3, s9;
	s6 =	sadd.s32 @!p0 $0x88, s6;
	s7 =	simm.s32 @p2 $0x1082  }
0x22: {  	[simem:s7], [sflag:s8] =	dma.local @!p0 [hbm:s6], $0xF7A  }
0x23: {  	s9 =	sor.u32 $0xD0000000, s2;
	s6 =	simm.s32 $0x108;
	_ =	swait.ge @!p0 [sflag:s8], $0x0  }
0x24: {  	s3 =	sadd.s32 $0x88, s3;
	s6 =	simm.s32 @!p1 $0x1082;
	[sflag:s4] =	ssyncset.s32 $0xFFFFF086  }
0x25: {  	[simem:s6], [sflag:s4] =	dma.local [hbm:s3], $0xF7A  }
0x26: {  	[smem:$0x3F99] =	sst s1;
	(tag) =	ssettag s2;
	_ =	strace s9  }
0x27: {  	s1 =	sld [smem:$0x3FA9]  }
0x28: {  	s2 =	sld [smem:$0x3FAA]  }
0x29: {  	s4 =	sld [smem:$0x3FAC]  }
0x2a: {  	p0 =	seq.s32 s5, $0x0;
	s5 =	sld [smem:$0x3FAD]  }
0x2b: {  	s6 =	sld [smem:$0x3FAE]  }
0x2c: {  	s7 =	sld [smem:$0x3FAF]  }
0x2d: {  	s3 =	simm.s32 $0x108;
	s8 =	sld [smem:$0x3FB0]  }
0x2e: {  	s3 =	simm.s32 @!p0 $0x1082;
	s9 =	sld [smem:$0x3FB1]  }
0x2f: {  	lr =	sadd.s32 s0, s3;
	s0 =	sld [smem:$0x3FA8]  }
0x30: {  	s3 =	sld [smem:$0x3FAB]  }
0x31: {  	[smem:$0x3FB4] =	sst s10  }
0x32: {  	s10 =	sld [smem:$0x3FB2];
	_ =	sdelay $0x3  }
0x33: {  	p0 =	seq.s32 s10, $0x1;
	s10 =	sld [smem:$0x3FB4];
	_ =	sdelay $0x3  }
0x34: {  	[smem:$0x3FB4] =	sst s10  }
0x35: {  	s10 =	sld [smem:$0x3FB3];
	_ =	sdelay $0x3  }
0x36: {  	p1 =	seq.s32 s10, $0x1;
	s10 =	sld [smem:$0x3FB4];
	_ =	sdelay $0x3  }
0x37: {  	[smem:$0x3FB4] =	sst s10  }
0x38: {  	s10 =	sld [smem:$0x3FB5]  }
0x39: {  	_ = 	snop;
	(pc) =	sbr.ind lr, $3  }
0x3a: {  	_ = 	snop  }
0x3b: {  	_ = 	snop  }
0x3c: {  	p2 =	seq.s32 s10, $0x1;
	s10 =	sld [smem:$0x3FB4]  }
0x3d: {  	_ =	shalt  }
0x3e: {  	_ =	shalt  }
0x3f: {  	_ =	shalt  }
0x40: {  	_ =	shalt  }
0x41: {  	_ =	shalt  }
0x42: {  	_ =	shalt  }
0x43: {  	_ =	shalt  }
0x44: {  	_ =	shalt  }
0x45: {  	_ =	shalt  }
0x46: {  	_ =	shalt  }
0x47: {  	_ =	shalt  }
0x48: {  	_ =	shalt  }
0x49: {  	_ =	shalt  }
0x4a: {  	_ =	shalt  }
0x4b: {  	_ =	shalt  }
0x4c: {  	_ =	shalt  }
0x4d: {  	_ =	shalt  }
0x4e: {  	_ =	shalt  }
0x4f: {  	_ =	shalt  }
0x50: {  	_ =	shalt  }
0x51: {  	_ =	shalt  }
0x52: {  	_ =	shalt  }
0x53: {  	_ =	shalt  }
0x54: {  	_ =	shalt  }
0x55: {  	_ =	shalt  }
0x56: {  	_ =	shalt  }
0x57: {  	_ =	shalt  }
0x58: {  	_ =	shalt  }
0x59: {  	_ =	shalt  }
0x5a: {  	_ =	shalt  }
0x5b: {  	_ =	shalt  }
0x5c: {  	_ =	shalt  }
0x5d: {  	_ =	shalt  }
0x5e: {  	_ =	shalt  }
0x5f: {  	_ =	shalt  }
0x60: {  	_ =	shalt  }
0x61: {  	_ =	shalt  }
0x62: {  	_ =	shalt  }
0x63: {  	_ =	shalt  }
0x64: {  	_ =	shalt  }
0x65: {  	_ =	shalt  }
0x66: {  	_ =	shalt  }
0x67: {  	_ =	shalt  }
0x68: {  	_ =	shalt  }
0x69: {  	_ =	shalt  }
0x6a: {  	_ =	shalt  }
0x6b: {  	_ =	shalt  }
0x6c: {  	_ =	shalt  }
0x6d: {  	_ =	shalt  }
0x6e: {  	_ =	shalt  }
0x6f: {  	_ =	shalt  }
0x70: {  	_ =	shalt  }
0x71: {  	_ =	shalt  }
0x72: {  	_ =	shalt  }
0x73: {  	_ =	shalt  }
0x74: {  	_ =	shalt  }
0x75: {  	_ =	shalt  }
0x76: {  	_ =	shalt  }
0x77: {  	_ =	shalt  }
0x78: {  	_ =	shalt  }
0x79: {  	_ =	shalt  }
0x7a: {  	_ =	shalt  }
0x7b: {  	_ =	shalt  }
0x7c: {  	_ =	shalt  }
0x7d: {  	_ =	shalt  }
0x7e: {  	_ =	shalt  }
0x7f: {  	_ =	shalt  }
0x80: {  	_ =	shalt  }
0x81: {  	_ =	shalt  }
0x82: {  	_ =	shalt  }
0x83: {  	_ =	shalt  }
0x84: {  	_ =	shalt  }
0x85: {  	_ =	shalt  }
0x86: {  	_ =	shalt  }
0x87: {  	_ =	shalt  }
.Lfunc_end0:
.L_simem_size_0:
called_computation_lowered:
.L_overlay_start_0:
0x88: {  	s2 =	sld [smem:$0x3FD9]  }
0x89: {  	s3 =	sld [smem:$0x3FFE];
	_ =	sdelay $0x1  }
0x8a: {  	s1 =	srdreg.scid  }
0x8b: {  	s0 =	sand.u32 $0x1, s1  }
0x8c: {  	s17 =	sshll.u32 s0, $0xA;
	s2 =	sadd.s32 s3, s2  }
0x8d: {  	s2 =	sadd.s32 s2, s17  }
0x8e: {  	[smem:$0x3FC0] =	sst s2  }
0x8f: {  	_ = 	snop  }
0x90: {  	s2 =	sld [smem:$0x3FC7]  }
0x91: {  	s18 =	sld [smem:$0x3FC6];
	(tm) =	ssettm $0x1  }
0x92: {  	s4 =	sld [smem:$0x3FFB];
	_ =	sdelay $0x3  }
0x93: {  	_ =	strace s4  }
0x94: {  	s4 =	sld [smem:$0x3FFC];
	_ =	sdelay $0x3  }
0x95: {  	_ =	strace s4  }
0x96: {  	s4 =	sld [smem:$0x3FFD];
	_ =	sdelay $0x3  }
0x97: {  	_ =	strace s4  }
0x98: {  	_ =	strace $0x8FFFFFFF  }
0x99: {  	s19 =	sld [smem:$0x3FDB];
	_ =	sdelay $0x1  }
0x9a: {  	s5 =	simm.s32 $_scs_section_size  }
0x9b: {  	s6 =	simm.s32 $_size__tile_overlayer_lowered;
	s7 =	simm.s32 $_tile_overlayer_lowered  }
0x9c: {  	s22 =	simm.s32 $0x1BFF;
	s21 =	sshll.u32 s7, $0x1;
	s4 =	sadd.s32 s5, s19  }
0x9d: {  	s8 =	simm.s32 $0x0;
	s20 =	sshll.u32 s6, $0x1;
	s6 =	sadd.s32 s21, s4  }
0x9e: {  	[timem:s8], [sflag:s22] =	dma.local [hbm:s6], s20  }
0x9f: {  	_ =	swait.ge [sflag:s22], s20  }
0xa0: {  	s5 =	ssub.s32 $0x0, s20;
	[sflag:s22] =	ssyncset.done $0x0  }
0xa1: {  	[sflag:s22] =	ssyncadd.s32 s5;
	_ =	sdelay $0x1  }
0xa2: {  	s23 =	simm.s32 $0x1B8B  }
0xa3: {  	_ =	swait.ge [sflag:s23], $0x1  }
0xa4: {  	[sflag:s23] =	ssyncset.done $0x0  }
0xa5: {  	s25 =	simm.s32 $0x1B8E;
	s24 =	sld [smem:$0x3FFE];
	[sflag:s23] =	ssyncadd.s32 $0xFFFFFFFF  }
0xa6: {  	s26 =	simm.s32 $execute0_lowered;
	[smem:$0x3FD2] =	sst s25  }
0xa7: {  	s6 =	sshll.u32 s26, $0x1;
	_ =	strace $0x80000046;
	[dreg:$0x1] =	wrdreg $0xFFFFFFFF  }
0xa8: {  	s28 =	simm.s32 $_size_execute0_lowered;
	s4 =	sadd.s32 s4, s6;
	[dreg:$0x0] =	wrdreg $0x0  }
0xa9: {  	s6 =	sshll.u32 s28, $0x1;
	[dreg:$0x2] =	wrdreg s4  }
0xaa: {  	[dreg:$0x3] =	wrdreg s6  }
0xab: {  	[dreg:$0x4] =	wrdreg $0xC0  }
0xac: {  	_ =	task [dreg:s8], $0x5FFFF  }
0xad: {  	[dreg:$0x1] =	wrdreg $0xFFFFFFFF  }
0xae: {  	[dreg:$0x0] =	wrdreg $0x60  }
0xaf: {  	[dreg:$0x2] =	wrdreg s24  }
0xb0: {  	[dreg:$0x3] =	wrdreg s2  }
0xb1: {  	[dreg:$0x4] =	wrdreg s18  }
0xb2: {  	[dreg:$0x5] =	wrdreg $0x9  }
0xb3: {  	_ =	task.clear_ibuf [dreg:s8], $0x6FFFF;
	_ =	strace $0x90000046  }
0xb4: {  	s29 =	simm.s32 $0x9;
	_ =	strace $0x80000048  }
0xb5: {  	_ =	swait.ge [sflag:s29], $0x1  }
0xb6: {  	[sflag:s29] =	ssyncadd.s32 $0xFFFFFFFF  }
0xb7: {  	_ =	strace $0x90000048  }
0xb8: {  	_ =	sfence  }
0xb9: {  	s30 =	sld [smem:$0x0];
	_ =	sdelay $0x2  }
0xba: {  	s31 =	sshll.u32 s1, $0xD;
	s1 =	sshrl.u32 s1, $0x2  }
0xbb: {  	s3 =	sand.u32 $0x4000, s31;
	s1 =	sadd.s32 s1, s30  }
0xbc: {  	s0 =	sor.u32 s3, s0;
	s1 =	sshll.u32 s1, $0x11  }
0xbd: {  	s0 =	sor.u32 s1, s0  }
0xbe: {  	s0 =	sadd.s32 $0x8F2B, s0  }
0xbf: {  	[sflag:s0] =	ssyncadd.remote.s32 $0x1  }
0xc0: {  	_ =	sfence.sel $0xFFFF  }
0xc1: {  	[dreg:$0x0] =	wrdreg $0xFFFFFFFF;
	(pc) =	sbr.abs _section_cstart, $3  }
0xc2: {  	[dreg:$0x1] =	wrdreg $0xFFFFFFFF  }
0xc3: {  	_ =	task.clear_ibuf [dreg:s8], $0x2FFFF;
	_ =	strace $0x9FFFFFFF  }
0xc4: {  	(tm) =	ssettm $0x7FFFFFFF  }
0xc5: {  	_ =	shalt  }
tec
execute0_lowered:
.L_overlay_start_1:
0x0: {  	(tag) =	ssettag $0x1  }
0x1: {  	s0 =	rddreg [dreg:$0x0]  }
0x2: {  	s5 =	rddreg [dreg:$0x1]  }
0x3: {  	s3 =	rddreg [dreg:$0x2];
	s1 =	srdreg.scid  }
0x4: {  	s2 =	simm.s32 $0x0;
	s4 =	stileid.u32;
	s31 =	simm.s32 $0xF  }
0x5: {  	s30 =	simm.s32 $0x10;
	s22 =	simm.s32 $0x80;
	s19 =	simm.s32 $0x100  }
0x6: {  	s21 =	simm.s32 $0x4400;
	s20 =	simm.s32 $0x180;
	s23 =	simm.s32 $0x280  }
0x7: {  	s18 =	simm.s32 $0xC400;
	s24 =	simm.s32 $0x300;
	s17 =	simm.s32 $0x10400  }
0x8: {  	s25 =	simm.s32 $0x380;
	s29 =	simm.s32 $0x2;
	[smem:$0x7FF] =	sst s2  }
0x9: {  	s28 =	simm.s32 $0x3;
	_ =	strace $0x80000047;
	[dreg:$0xd] =	wrdreg s19  }
0xa: {  	p0 =	por $0x0, $0x0;
	s1 =	sand.u32 $0x1, s1;
	[dreg:$0xe] =	wrdreg s20  }
0xb: {  	s4 =	sshll.u32 s4, $0xA;
	s7 =	sadd.s32 $0xC00, s0;
	[dreg:$0xf] =	wrdreg s23  }
0xc: {  	s0 =	sadd.s32 $0x1C00, s0;
	s6 =	sshll.u32 s1, $0x9;
	[dreg:$0x10] =	wrdreg s24  }
0xd: {  	s1 =	ssub.s32 $0x2, s1;
	s19 =	simm.s32 $0x8400;
	[dreg:$0x11] =	wrdreg s25  }
0xe: {  	s25 =	simm.s32 $0x4;
	s24 =	simm.s32 $0x5;
	s23 =	simm.s32 $0x6  }
0xf: {  	s20 =	simm.s32 $0x7;
	s4 =	sor.u32 s6, s4;
	s13 =	sshrl.u32 s1, $0x1  }
0x10: {  	s6 =	sshrl.u32 s4, $0x3;
	s8 =	sor.u32 $0x4000, s4;
	s4 =	sshll.u32 s4, $0x4  }
0x11: {  	s1 =	ssub.s32 s1, s13;
	s6 =	sadd.s32 s7, s6;
	s9 =	sshrl.u32 s8, $0x3  }
0x12: {  	s11 =	sshll.u32 s8, $0x4;
	[dreg:$0x4] =	wrdreg s6;
	s26 =	sadd.s32 s7, s9  }
0x13: {  	s9 =	sadd.s32 s0, s4;
	s0 =	sadd.s32 s0, s11;
	[dreg:$0x5] =	wrdreg s26  }
0x14: {  	s13 =	simm.s32 $0x18400;
	s16 =	smax.u32 s1, $0x1;
	[dreg:$0x9] =	wrdreg s0  }
0x15: {  	s8 =	simm.s32 $0xD;
	s4 =	sadd.s32 $0x800, s9;
	s1 =	rddreg [dreg:$0x4]  }
0x16: {  	p1 =	sne.s32 s16, $0x1;
	s7 =	sadd.s32 $0x1000, s9;
	[dreg:$0x6] =	wrdreg s4  }
0x17: {  	s11 =	simm.s32 $0xC;
	s10 =	sadd.s32 $0x1800, s9;
	[dreg:$0x7] =	wrdreg s7  }
0x18: {  	s6 =	simm.s32 $0xE;
	s12 =	sadd.s32 $0x40800, s9;
	[dreg:$0x8] =	wrdreg s10  }
.Ltmp0:
0x19: {  	s14 =	sadd.s32 $0x41000, s9;
	[dreg:$0xa] =	wrdreg s12;
	(pc) =	sbr.rel @!p1 .LBB2_3-.Ltmp0, $4  }
0x1a: {  	s15 =	sadd.s32 $0x41800, s9;
	s26 =	simm.s32 $0x200;
	[dreg:$0xb] =	wrdreg s14  }
0x1b: {  	s0 =	sadd.s32 $0xFFFFFFFF, s16;
	s16 =	simm.s32 $0x9;
	[dreg:$0xc] =	wrdreg s15  }
0x1c: {  	s4 =	simm.s32 $0x400;
	s15 =	simm.s32 $0x14400;
	s10 =	simm.s32 $0x1  }
0x1d: {  	s7 =	simm.s32 $0x8;
	s14 =	simm.s32 $0xA;
	s12 =	simm.s32 $0xB  }
0x1e: {  	[dreg:$0x12] =	wrdreg s0  }
0x1f: {  	[tilespmem:s2], [sflag:$0xF] =	stream.linear.gather [hbm4b:s1+s2], $0x200, $0x38;
	[tilespmem:$0x1C400] =	vst v63  }
0x20: {  	s0 =	rddreg [dreg:$0x5]  }
0x21: {  	[tilespmem:s26], [sflag:$0x10] =	stream.linear.gather [hbm4b:s0+s2], $0x200, $0x38;
	[tilespmem:$0x1C400] =	vst v63  }
0x22: {  	_ =	swait.ge [sflag:s31], $0x200  }
0x23: {  	[sflag:s31] =	ssyncset.done $0x0  }
0x24: {  	[sflag:s31] =	ssyncadd.s32 $0xFFFFFE00  }
0x25: {  	_ =	swait.ge [sflag:s30], $0x200  }
0x26: {  	[sflag:s30] =	ssyncset.done $0x0  }
0x27: {  	[sflag:s30] =	ssyncadd.s32 $0xFFFFFE00  }
0x28: {  	[tilespmem:s4], [sflag:$0x1] =	stream.indirect.gather [hbm4b:s5+s22], $0x80, s2, s22, $0xb8;
	[tilespmem:$0x1C400] =	vst v63  }
0x29: {  	_ = 	snop  }
0x2a: {  	[tilespmem:s21], [sflag:$0x2] =	stream.indirect.gather [hbm4b:s5+s22], $0x80, s22, s22, $0xb8;
	[tilespmem:$0x1C400] =	vst v63  }
0x2b: {  	s0 =	rddreg [dreg:$0xd]  }
0x2c: {  	[tilespmem:s19], [sflag:$0x3] =	stream.indirect.gather [hbm4b:s5+s22], $0x80, s0, s22, $0xb8;
	[tilespmem:$0x1C400] =	vst v63  }
0x2d: {  	s1 =	rddreg [dreg:$0xe]  }
0x2e: {  	[tilespmem:s18], [sflag:$0x4] =	stream.indirect.gather [hbm4b:s5+s22], $0x80, s1, s22, $0xb8;
	[tilespmem:$0x1C400] =	vst v63  }
0x2f: {  	_ = 	snop  }
0x30: {  	[tilespmem:s17], [sflag:$0x5] =	stream.indirect.gather [hbm4b:s3+s22], $0x80, s26, s22, $0xb8;
	[tilespmem:$0x1C400] =	vst v63  }
0x31: {  	s0 =	rddreg [dreg:$0xf]  }
0x32: {  	[tilespmem:s15], [sflag:$0x6] =	stream.indirect.gather [hbm4b:s3+s22], $0x80, s0, s22, $0xb8;
	[tilespmem:$0x1C400] =	vst v63  }
0x33: {  	s1 =	rddreg [dreg:$0x10]  }
0x34: {  	[tilespmem:s13], [sflag:$0x7] =	stream.indirect.gather [hbm4b:s3+s22], $0x80, s1, s22, $0xb8;
	[tilespmem:$0x1C400] =	vst v63  }
0x35: {  	_ =	swait.ge [sflag:s10], $0x4000  }
0x36: {  	[sflag:s10] =	ssyncset.done $0x0  }
0x37: {  	[sflag:s10] =	ssyncadd.s32 $0xFFFFC000  }
0x38: {  	[hbm4b:s9+s2] =	stream.linear.scatter [tilespmem:s4], [sflag:$0x8], $0x4000, $0x38;
	[tilespmem:$0x1C400] =	vst v63  }
0x39: {  	_ =	swait.ge [sflag:s7], $0x4000  }
0x3a: {  	[sflag:s7] =	ssyncset.done $0x0  }
0x3b: {  	s1 =	rddreg [dreg:$0x11];
	[sflag:s7] =	ssyncadd.s32 $0xFFFFC000  }
0x3c: {  	[tilespmem:s4], [sflag:$0x1] =	stream.indirect.gather [hbm4b:s3+s22], $0x80, s1, s22, $0xb8;
	[tilespmem:$0x1C400] =	vst v63  }
0x3d: {  	_ =	swait.ge [sflag:s29], $0x4000  }
0x3e: {  	[sflag:s29] =	ssyncset.done $0x0  }
0x3f: {  	s1 =	rddreg [dreg:$0x6];
	[sflag:s29] =	ssyncadd.s32 $0xFFFFC000  }
0x40: {  	[hbm4b:s1+s2] =	stream.linear.scatter [tilespmem:s21], [sflag:$0x9], $0x4000, $0x38;
	[tilespmem:$0x1C400] =	vst v63  }
0x41: {  	_ =	swait.ge [sflag:s28], $0x4000  }
0x42: {  	[sflag:s28] =	ssyncset.done $0x0  }
0x43: {  	s1 =	rddreg [dreg:$0x7];
	[sflag:s28] =	ssyncadd.s32 $0xFFFFC000  }
0x44: {  	[hbm4b:s1+s2] =	stream.linear.scatter [tilespmem:s19], [sflag:$0xA], $0x4000, $0x38;
	[tilespmem:$0x1C400] =	vst v63  }
0x45: {  	_ =	swait.ge [sflag:s25], $0x4000  }
0x46: {  	[sflag:s25] =	ssyncset.done $0x0  }
0x47: {  	s1 =	rddreg [dreg:$0x8];
	[sflag:s25] =	ssyncadd.s32 $0xFFFFC000  }
0x48: {  	[hbm4b:s1+s2] =	stream.linear.scatter [tilespmem:s18], [sflag:$0xB], $0x4000, $0x38;
	[tilespmem:$0x1C400] =	vst v63  }
0x49: {  	_ =	swait.ge [sflag:s24], $0x4000  }
0x4a: {  	[sflag:s24] =	ssyncset.done $0x0  }
0x4b: {  	s1 =	rddreg [dreg:$0x9];
	[sflag:s24] =	ssyncadd.s32 $0xFFFFC000  }
0x4c: {  	[hbm4b:s1+s2] =	stream.linear.scatter [tilespmem:s17], [sflag:$0xC], $0x4000, $0x38;
	[tilespmem:$0x1C400] =	vst v63  }
0x4d: {  	_ =	swait.ge [sflag:s23], $0x4000  }
0x4e: {  	[sflag:s23] =	ssyncset.done $0x0  }
0x4f: {  	s1 =	rddreg [dreg:$0xa];
	[sflag:s23] =	ssyncadd.s32 $0xFFFFC000  }
0x50: {  	[hbm4b:s1+s2] =	stream.linear.scatter [tilespmem:s15], [sflag:$0xD], $0x4000, $0x38;
	[tilespmem:$0x1C400] =	vst v63  }
0x51: {  	_ =	swait.ge [sflag:s20], $0x4000  }
0x52: {  	[sflag:s20] =	ssyncset.done $0x0  }
0x53: {  	s1 =	rddreg [dreg:$0xb];
	[sflag:s20] =	ssyncadd.s32 $0xFFFFC000  }
0x54: {  	[hbm4b:s1+s2] =	stream.linear.scatter [tilespmem:s13], [sflag:$0xE], $0x4000, $0x38;
	[tilespmem:$0x1C400] =	vst v63  }
0x55: {  	_ =	swait.ge [sflag:s10], $0x4000  }
0x56: {  	[sflag:s10] =	ssyncset.done $0x0  }
0x57: {  	s1 =	rddreg [dreg:$0xc];
	[sflag:s10] =	ssyncadd.s32 $0xFFFFC000  }
0x58: {  	[hbm4b:s1+s2] =	stream.linear.scatter [tilespmem:s4], [sflag:$0x8], $0x4000, $0x38;
	[tilespmem:$0x1C400] =	vst v63  }
0x59: {  	_ =	swait.ge [sflag:s7], $0x4000  }
0x5a: {  	[sflag:s7] =	ssyncset.done $0x0  }
0x5b: {  	[sflag:s7] =	ssyncadd.s32 $0xFFFFC000  }
0x5c: {  	_ =	swait.ge [sflag:s16], $0x4000  }
0x5d: {  	[sflag:s16] =	ssyncset.done $0x0  }
0x5e: {  	[sflag:s16] =	ssyncadd.s32 $0xFFFFC000  }
0x5f: {  	_ =	swait.ge [sflag:s14], $0x4000  }
0x60: {  	[sflag:s14] =	ssyncset.done $0x0  }
0x61: {  	[sflag:s14] =	ssyncadd.s32 $0xFFFFC000  }
0x62: {  	_ =	swait.ge [sflag:s12], $0x4000  }
0x63: {  	[sflag:s12] =	ssyncset.done $0x0  }
0x64: {  	[sflag:s12] =	ssyncadd.s32 $0xFFFFC000  }
0x65: {  	_ =	swait.ge [sflag:s11], $0x4000  }
0x66: {  	[sflag:s11] =	ssyncset.done $0x0  }
0x67: {  	[sflag:s11] =	ssyncadd.s32 $0xFFFFC000  }
0x68: {  	_ =	swait.ge [sflag:s8], $0x4000  }
0x69: {  	s1 =	rddreg [dreg:$0x12]  }
0x6a: {  	p1 =	sne.s32 s1, $0x1  }
.Ltmp1:
0x6b: {  	_ = 	snop;
	(pc) =	sbr.rel @!p1 .LBB2_3-.Ltmp1, $4  }
0x6c: {  	[sflag:s8] =	ssyncset.done $0x0  }
0x6d: {  	[sflag:s8] =	ssyncadd.s32 $0xFFFFC000  }
0x6e: {  	p0 =	por $0x1, $0x1;
	_ =	swait.ge [sflag:s6], $0x4000  }
0x6f: {  	s0 =	sadd.s32 $0xFFFFFFFF, s1;
	s1 =	rddreg [dreg:$0x4];
	[sflag:s6] =	ssyncset.done $0x0  }
.LBB2_2:
0x70: {  	[sflag:s6] =	ssyncadd.s32 $0xFFFFC000  }
0x71: {  	[tilespmem:s2], [sflag:$0xF] =	stream.linear.gather [hbm4b:s1+s2], $0x200, $0x38;
	[tilespmem:$0x1C400] =	vst v63  }
0x72: {  	s6 =	simm.s32 $0x200;
	s13 =	smov.u32 s9;
	s9 =	rddreg [dreg:$0x5]  }
0x73: {  	[tilespmem:s6], [sflag:$0x10] =	stream.linear.gather [hbm4b:s9+s2], $0x200, $0x38;
	[tilespmem:$0x1C400] =	vst v63  }
0x74: {  	_ =	swait.ge [sflag:s31], $0x200  }
0x75: {  	[sflag:s31] =	ssyncset.done $0x0  }
0x76: {  	[sflag:s31] =	ssyncadd.s32 $0xFFFFFE00  }
0x77: {  	_ =	swait.ge [sflag:s30], $0x200  }
0x78: {  	[sflag:s30] =	ssyncset.done $0x0  }
0x79: {  	[sflag:s30] =	ssyncadd.s32 $0xFFFFFE00  }
0x7a: {  	[tilespmem:s4], [sflag:$0x1] =	stream.indirect.gather [hbm4b:s5+s22], $0x80, s2, s22, $0xb8;
	[tilespmem:$0x1C400] =	vst v63  }
0x7b: {  	s26 =	simm.s32 $0x4400  }
0x7c: {  	[tilespmem:s26], [sflag:$0x2] =	stream.indirect.gather [hbm4b:s5+s22], $0x80, s22, s22, $0xb8;
	[tilespmem:$0x1C400] =	vst v63  }
0x7d: {  	s21 =	simm.s32 $0x8400;
	s1 =	rddreg [dreg:$0xd]  }
0x7e: {  	[tilespmem:s21], [sflag:$0x3] =	stream.indirect.gather [hbm4b:s5+s22], $0x80, s1, s22, $0xb8;
	[tilespmem:$0x1C400] =	vst v63  }
0x7f: {  	s19 =	simm.s32 $0xC400;
	s9 =	rddreg [dreg:$0xe]  }
0x80: {  	[tilespmem:s19], [sflag:$0x4] =	stream.indirect.gather [hbm4b:s5+s22], $0x80, s9, s22, $0xb8;
	[tilespmem:$0x1C400] =	vst v63  }
0x81: {  	s18 =	simm.s32 $0x10400;
	s26 =	simm.s32 $0x200  }
0x82: {  	[tilespmem:s18], [sflag:$0x5] =	stream.indirect.gather [hbm4b:s3+s22], $0x80, s26, s22, $0xb8;
	[tilespmem:$0x1C400] =	vst v63  }
0x83: {  	s17 =	simm.s32 $0x14400;
	s1 =	rddreg [dreg:$0xf]  }
0x84: {  	[tilespmem:s17], [sflag:$0x6] =	stream.indirect.gather [hbm4b:s3+s22], $0x80, s1, s22, $0xb8;
	[tilespmem:$0x1C400] =	vst v63  }
0x85: {  	s15 =	simm.s32 $0x18400;
	s9 =	rddreg [dreg:$0x10]  }
0x86: {  	[tilespmem:s15], [sflag:$0x7] =	stream.indirect.gather [hbm4b:s3+s22], $0x80, s9, s22, $0xb8;
	[tilespmem:$0x1C400] =	vst v63  }
0x87: {  	_ =	swait.ge [sflag:s10], $0x4000  }
0x88: {  	[sflag:s10] =	ssyncset.done $0x0  }
0x89: {  	s9 =	smov.u32 s13;
	[sflag:s10] =	ssyncadd.s32 $0xFFFFC000  }
0x8a: {  	[hbm4b:s9+s2] =	stream.linear.scatter [tilespmem:s4], [sflag:$0x8], $0x4000, $0x38;
	[tilespmem:$0x1C400] =	vst v63  }
0x8b: {  	_ =	swait.ge [sflag:s7], $0x4000  }
0x8c: {  	[sflag:s7] =	ssyncset.done $0x0  }
0x8d: {  	s1 =	rddreg [dreg:$0x11];
	[sflag:s7] =	ssyncadd.s32 $0xFFFFC000  }
0x8e: {  	[tilespmem:s4], [sflag:$0x1] =	stream.indirect.gather [hbm4b:s3+s22], $0x80, s1, s22, $0xb8;
	[tilespmem:$0x1C400] =	vst v63  }
0x8f: {  	_ =	swait.ge [sflag:s29], $0x4000  }
0x90: {  	[sflag:s29] =	ssyncset.done $0x0  }
0x91: {  	s21 =	simm.s32 $0x4400;
	s1 =	rddreg [dreg:$0x6];
	[sflag:s29] =	ssyncadd.s32 $0xFFFFC000  }
0x92: {  	[hbm4b:s1+s2] =	stream.linear.scatter [tilespmem:s21], [sflag:$0x9], $0x4000, $0x38;
	[tilespmem:$0x1C400] =	vst v63  }
0x93: {  	_ =	swait.ge [sflag:s28], $0x4000  }
0x94: {  	[sflag:s28] =	ssyncset.done $0x0  }
0x95: {  	s19 =	simm.s32 $0x8400;
	s1 =	rddreg [dreg:$0x7];
	[sflag:s28] =	ssyncadd.s32 $0xFFFFC000  }
0x96: {  	[hbm4b:s1+s2] =	stream.linear.scatter [tilespmem:s19], [sflag:$0xA], $0x4000, $0x38;
	[tilespmem:$0x1C400] =	vst v63  }
0x97: {  	_ =	swait.ge [sflag:s25], $0x4000  }
0x98: {  	[sflag:s25] =	ssyncset.done $0x0  }
0x99: {  	s18 =	simm.s32 $0xC400;
	s1 =	rddreg [dreg:$0x8];
	[sflag:s25] =	ssyncadd.s32 $0xFFFFC000  }
0x9a: {  	[hbm4b:s1+s2] =	stream.linear.scatter [tilespmem:s18], [sflag:$0xB], $0x4000, $0x38;
	[tilespmem:$0x1C400] =	vst v63  }
0x9b: {  	_ =	swait.ge [sflag:s24], $0x4000  }
0x9c: {  	[sflag:s24] =	ssyncset.done $0x0  }
0x9d: {  	s17 =	simm.s32 $0x10400;
	s1 =	rddreg [dreg:$0x9];
	[sflag:s24] =	ssyncadd.s32 $0xFFFFC000  }
0x9e: {  	[hbm4b:s1+s2] =	stream.linear.scatter [tilespmem:s17], [sflag:$0xC], $0x4000, $0x38;
	[tilespmem:$0x1C400] =	vst v63  }
0x9f: {  	_ =	swait.ge [sflag:s23], $0x4000  }
0xa0: {  	[sflag:s23] =	ssyncset.done $0x0  }
0xa1: {  	s15 =	simm.s32 $0x14400;
	s1 =	rddreg [dreg:$0xa];
	[sflag:s23] =	ssyncadd.s32 $0xFFFFC000  }
0xa2: {  	[hbm4b:s1+s2] =	stream.linear.scatter [tilespmem:s15], [sflag:$0xD], $0x4000, $0x38;
	[tilespmem:$0x1C400] =	vst v63  }
0xa3: {  	_ =	swait.ge [sflag:s20], $0x4000  }
0xa4: {  	[sflag:s20] =	ssyncset.done $0x0  }
0xa5: {  	s13 =	simm.s32 $0x18400;
	s1 =	rddreg [dreg:$0xb];
	[sflag:s20] =	ssyncadd.s32 $0xFFFFC000  }
0xa6: {  	[hbm4b:s1+s2] =	stream.linear.scatter [tilespmem:s13], [sflag:$0xE], $0x4000, $0x38;
	[tilespmem:$0x1C400] =	vst v63  }
0xa7: {  	_ =	swait.ge [sflag:s10], $0x4000  }
0xa8: {  	[sflag:s10] =	ssyncset.done $0x0  }
0xa9: {  	s1 =	rddreg [dreg:$0xc];
	[sflag:s10] =	ssyncadd.s32 $0xFFFFC000  }
0xaa: {  	[hbm4b:s1+s2] =	stream.linear.scatter [tilespmem:s4], [sflag:$0x8], $0x4000, $0x38;
	[tilespmem:$0x1C400] =	vst v63  }
0xab: {  	_ =	swait.ge [sflag:s7], $0x4000  }
0xac: {  	[sflag:s7] =	ssyncset.done $0x0  }
0xad: {  	[sflag:s7] =	ssyncadd.s32 $0xFFFFC000  }
0xae: {  	_ =	swait.ge [sflag:s16], $0x4000  }
0xaf: {  	[sflag:s16] =	ssyncset.done $0x0  }
0xb0: {  	[sflag:s16] =	ssyncadd.s32 $0xFFFFC000  }
0xb1: {  	_ =	swait.ge [sflag:s14], $0x4000  }
0xb2: {  	[sflag:s14] =	ssyncset.done $0x0  }
0xb3: {  	[sflag:s14] =	ssyncadd.s32 $0xFFFFC000  }
0xb4: {  	_ =	swait.ge [sflag:s12], $0x4000  }
0xb5: {  	[sflag:s12] =	ssyncset.done $0x0  }
0xb6: {  	[sflag:s12] =	ssyncadd.s32 $0xFFFFC000  }
0xb7: {  	_ =	swait.ge [sflag:s11], $0x4000  }
0xb8: {  	[sflag:s11] =	ssyncset.done $0x0  }
0xb9: {  	p1 =	sne.s32 s0, $0x1;
	[sflag:s11] =	ssyncadd.s32 $0xFFFFC000  }
.Ltmp2:
0xba: {  	_ =	swait.ge [sflag:s8], $0x4000;
	(pc) =	sbr.rel @p1 .LBB2_2-.Ltmp2, $4  }
0xbb: {  	[sflag:s8] =	ssyncset.done $0x0  }
0xbc: {  	s6 =	simm.s32 $0xE;
	[sflag:s8] =	ssyncadd.s32 $0xFFFFC000  }
0xbd: {  	_ =	swait.ge [sflag:s6], $0x4000  }
0xbe: {  	s0 =	sadd.s32 $0xFFFFFFFF, s0;
	s1 =	rddreg [dreg:$0x4];
	[sflag:s6] =	ssyncset.done $0x0  }
.LBB2_3:
0xbf: {  	[sflag:s6] =	ssyncadd.s32 @p0 $0xFFFFC000  }
0xc0: {  	[tilespmem:s2], [sflag:$0xF] =	stream.linear.gather [hbm4b:s1+s2], $0x200, $0x38;
	[tilespmem:$0x1C400] =	vst v63  }
0xc1: {  	s0 =	rddreg [dreg:$0x5]  }
0xc2: {  	[tilespmem:s26], [sflag:$0x10] =	stream.linear.gather [hbm4b:s0+s2], $0x200, $0x38;
	[tilespmem:$0x1C400] =	vst v63  }
0xc3: {  	_ =	swait.ge [sflag:s31], $0x200  }
0xc4: {  	[sflag:s31] =	ssyncset.done $0x0  }
0xc5: {  	[sflag:s31] =	ssyncadd.s32 $0xFFFFFE00  }
0xc6: {  	_ =	swait.ge [sflag:s30], $0x200  }
0xc7: {  	[sflag:s30] =	ssyncset.done $0x0  }
0xc8: {  	[sflag:s30] =	ssyncadd.s32 $0xFFFFFE00  }
0xc9: {  	[tilespmem:s4], [sflag:$0x1] =	stream.indirect.gather [hbm4b:s5+s22], $0x80, s2, s22, $0xb8;
	[tilespmem:$0x1C400] =	vst v63  }
0xca: {  	_ = 	snop  }
0xcb: {  	[tilespmem:s21], [sflag:$0x2] =	stream.indirect.gather [hbm4b:s5+s22], $0x80, s22, s22, $0xb8;
	[tilespmem:$0x1C400] =	vst v63  }
0xcc: {  	s30 =	rddreg [dreg:$0xd]  }
0xcd: {  	[tilespmem:s19], [sflag:$0x3] =	stream.indirect.gather [hbm4b:s5+s22], $0x80, s30, s22, $0xb8;
	[tilespmem:$0x1C400] =	vst v63  }
0xce: {  	s31 =	rddreg [dreg:$0xe]  }
0xcf: {  	[tilespmem:s18], [sflag:$0x4] =	stream.indirect.gather [hbm4b:s5+s22], $0x80, s31, s22, $0xb8;
	[tilespmem:$0x1C400] =	vst v63  }
0xd0: {  	_ = 	snop  }
0xd1: {  	[tilespmem:s17], [sflag:$0x5] =	stream.indirect.gather [hbm4b:s3+s22], $0x80, s26, s22, $0xb8;
	[tilespmem:$0x1C400] =	vst v63  }
0xd2: {  	s30 =	rddreg [dreg:$0xf]  }
0xd3: {  	[tilespmem:s15], [sflag:$0x6] =	stream.indirect.gather [hbm4b:s3+s22], $0x80, s30, s22, $0xb8;
	[tilespmem:$0x1C400] =	vst v63  }
0xd4: {  	s31 =	rddreg [dreg:$0x10]  }
0xd5: {  	[tilespmem:s13], [sflag:$0x7] =	stream.indirect.gather [hbm4b:s3+s22], $0x80, s31, s22, $0xb8;
	[tilespmem:$0x1C400] =	vst v63  }
0xd6: {  	_ =	swait.ge [sflag:s10], $0x4000  }
0xd7: {  	[sflag:s10] =	ssyncset.done $0x0  }
0xd8: {  	[sflag:s10] =	ssyncadd.s32 $0xFFFFC000  }
0xd9: {  	[hbm4b:s9+s2] =	stream.linear.scatter [tilespmem:s4], [sflag:$0x8], $0x4000, $0x38;
	[tilespmem:$0x1C400] =	vst v63  }
0xda: {  	_ =	swait.ge [sflag:s7], $0x4000  }
0xdb: {  	[sflag:s7] =	ssyncset.done $0x0  }
0xdc: {  	s5 =	rddreg [dreg:$0x11];
	[sflag:s7] =	ssyncadd.s32 $0xFFFFC000  }
0xdd: {  	[tilespmem:s4], [sflag:$0x1] =	stream.indirect.gather [hbm4b:s3+s22], $0x80, s5, s22, $0xb8;
	[tilespmem:$0x1C400] =	vst v63  }
0xde: {  	_ =	swait.ge [sflag:s29], $0x4000  }
0xdf: {  	[sflag:s29] =	ssyncset.done $0x0  }
0xe0: {  	s9 =	rddreg [dreg:$0x6];
	[sflag:s29] =	ssyncadd.s32 $0xFFFFC000  }
0xe1: {  	[hbm4b:s9+s2] =	stream.linear.scatter [tilespmem:s21], [sflag:$0x9], $0x4000, $0x38;
	[tilespmem:$0x1C400] =	vst v63  }
0xe2: {  	_ =	swait.ge [sflag:s28], $0x4000  }
0xe3: {  	[sflag:s28] =	ssyncset.done $0x0  }
0xe4: {  	s21 =	rddreg [dreg:$0x7];
	[sflag:s28] =	ssyncadd.s32 $0xFFFFC000  }
0xe5: {  	[hbm4b:s21+s2] =	stream.linear.scatter [tilespmem:s19], [sflag:$0xA], $0x4000, $0x38;
	[tilespmem:$0x1C400] =	vst v63  }
0xe6: {  	_ =	swait.ge [sflag:s25], $0x4000  }
0xe7: {  	[sflag:s25] =	ssyncset.done $0x0  }
0xe8: {  	s22 =	rddreg [dreg:$0x8];
	[sflag:s25] =	ssyncadd.s32 $0xFFFFC000  }
0xe9: {  	[hbm4b:s22+s2] =	stream.linear.scatter [tilespmem:s18], [sflag:$0xB], $0x4000, $0x38;
	[tilespmem:$0x1C400] =	vst v63  }
0xea: {  	_ =	swait.ge [sflag:s24], $0x4000  }
0xeb: {  	[sflag:s24] =	ssyncset.done $0x0  }
0xec: {  	s26 =	rddreg [dreg:$0x9];
	[sflag:s24] =	ssyncadd.s32 $0xFFFFC000  }
0xed: {  	[hbm4b:s26+s2] =	stream.linear.scatter [tilespmem:s17], [sflag:$0xC], $0x4000, $0x38;
	[tilespmem:$0x1C400] =	vst v63  }
0xee: {  	_ =	swait.ge [sflag:s23], $0x4000  }
0xef: {  	[sflag:s23] =	ssyncset.done $0x0  }
0xf0: {  	s28 =	rddreg [dreg:$0xa];
	[sflag:s23] =	ssyncadd.s32 $0xFFFFC000  }
0xf1: {  	[hbm4b:s28+s2] =	stream.linear.scatter [tilespmem:s15], [sflag:$0xD], $0x4000, $0x38;
	[tilespmem:$0x1C400] =	vst v63  }
0xf2: {  	_ =	swait.ge [sflag:s20], $0x4000  }
0xf3: {  	[sflag:s20] =	ssyncset.done $0x0  }
0xf4: {  	s29 =	rddreg [dreg:$0xb];
	[sflag:s20] =	ssyncadd.s32 $0xFFFFC000  }
0xf5: {  	[hbm4b:s29+s2] =	stream.linear.scatter [tilespmem:s13], [sflag:$0xE], $0x4000, $0x38;
	[tilespmem:$0x1C400] =	vst v63  }
0xf6: {  	_ =	swait.ge [sflag:s10], $0x4000  }
0xf7: {  	[sflag:s10] =	ssyncset.done $0x0  }
0xf8: {  	s30 =	rddreg [dreg:$0xc];
	[sflag:s10] =	ssyncadd.s32 $0xFFFFC000  }
0xf9: {  	[hbm4b:s30+s2] =	stream.linear.scatter [tilespmem:s4], [sflag:$0x8], $0x4000, $0x38;
	[tilespmem:$0x1C400] =	vst v63  }
0xfa: {  	_ =	swait.ge [sflag:s7], $0x4000  }
0xfb: {  	[sflag:s7] =	ssyncset.done $0x0  }
0xfc: {  	[sflag:s7] =	ssyncadd.s32 $0xFFFFC000  }
0xfd: {  	_ =	swait.ge [sflag:s16], $0x4000  }
0xfe: {  	[sflag:s16] =	ssyncset.done $0x0  }
0xff: {  	[sflag:s16] =	ssyncadd.s32 $0xFFFFC000  }
0x100: {  	_ =	swait.ge [sflag:s14], $0x4000  }
0x101: {  	[sflag:s14] =	ssyncset.done $0x0  }
0x102: {  	[sflag:s14] =	ssyncadd.s32 $0xFFFFC000  }
0x103: {  	_ =	swait.ge [sflag:s12], $0x4000  }
0x104: {  	[sflag:s12] =	ssyncset.done $0x0  }
0x105: {  	[sflag:s12] =	ssyncadd.s32 $0xFFFFC000  }
0x106: {  	_ =	swait.ge [sflag:s11], $0x4000  }
0x107: {  	[sflag:s11] =	ssyncset.done $0x0  }
0x108: {  	[sflag:s11] =	ssyncadd.s32 $0xFFFFC000  }
0x109: {  	_ =	swait.ge [sflag:s8], $0x4000  }
0x10a: {  	[sflag:s8] =	ssyncset.done $0x0  }
0x10b: {  	[sflag:s8] =	ssyncadd.s32 $0xFFFFC000  }
0x10c: {  	_ =	swait.ge [sflag:s6], $0x4000  }
0x10d: {  	[sflag:s6] =	ssyncset.done $0x0  }
0x10e: {  	[sflag:s6] =	ssyncadd.s32 $0xFFFFC000  }
0x10f: {  	_ =	sfence.sel $0x180000  }
0x110: {  	[bflag:$0x0] =	sbarrier.arrive $0xFFFF  }
0x111: {  	_ =	strace $0x90000047  }
0x112: {  	s31 =	stileid.u32;
	[bflag:$0x2] =	sbarrier.arrive $0xFFFF  }
0x113: {  	p0 =	sne.s32 s31, $0x0;
	s0 =	rddreg [dreg:$0x3]  }
0x114: {  	s0 =	sadd.s32 @!p0 $0x100000, s0  }
0x115: {  	[sflag:s0] =	ssyncadd.tile.s32 @!p0 $0x1;
	_ =	shalt  }
.Lfunc_end2:
_tile_overlayer_lowered:
.L_overlay_start_2:
0x116: {  	(tag) =	ssettag $0x2  }
0x117: {  	s0 =	rddreg [dreg:$0x0];
	s2 =	stileid.u32  }
0x118: {  	s1 =	rddreg [dreg:$0x1];
	p0 =	sne.s32 s2, $0x0  }
0x119: {  	s3 =	rddreg [dreg:$0x2];
	[bflag:$0x3] =	sbarrier.arrive $0xFFFF;
	s2 =	simm.s32 @!p0 $0x1C11  }
0x11a: {  	[timem:s3], [sflag:s2] =	dma.local @!p0 [hbm:s0], s1  }
0x11b: {  	s0 =	simm.s32 @!p0 $0x11  }
0x11c: {  	_ =	swait.ge @!p0 [sflag:s0], s1  }
0x11d: {  	s1 =	ssub.s32 @!p0 $0x0, s1;
	[sflag:s0] =	ssyncset.done @!p0 $0x0  }
0x11e: {  	[sflag:s0] =	ssyncadd.s32 @!p0 s1  }
0x11f: {  	[bflag:$0x3] =	sbarrier.arrive $0xFFFF  }
0x120: {  	_ =	shalt  }

</sc_bundles>
